<compile_context>
chip_gen: v7x
topology: tpu7x:2x2x1
jax: 0.10.2.dev20260603
libtpu: 0.0.44.dev20260713+nightly
codegen_flags: <defaults>
</compile_context>

<pallas_src>
import functools

import jax
import jax.numpy as jnp
from jax import lax
from jax.experimental import pallas as pl
from jax.experimental.pallas import tpu as pltpu
from jax.experimental.pallas import tpu_sc as plsc

T = 2048
D = 2048
E = 16
K = 2
FF = 1408
NG = 8
TG = 4
CAP = 512

TB = 256
NTB = T // TB
SLOTS = E * CAP
XS_ROWS = SLOTS + CAP
YS_ROWS = SLOTS + T
NSB = T // CAP
NRB = E + NSB
FT = 128
NF = FF // FT
RC = 128
NRC = CAP // RC

NC, NS, L = 2, 16, 16
NW = NC * NS
TPW = T // NW
CHT = 8
NCH = TPW // CHT

_NEG = -float("inf")



def _routing_body(x_ref, gw_ref, gb_ref, poss_ref, posg_ref, wts_ref,
                  cnt_ref, carry_ref):
    tb = pl.program_id(0)

    @pl.when(tb == 0)
    def _():
        carry_ref[...] = jnp.zeros_like(carry_ref)

    xb = x_ref[...]
    logits = lax.dot_general(xb, gw_ref[...], (((1,), (1,)), ((), ())),
                             preferred_element_type=jnp.float32)
    scores = jax.nn.sigmoid(logits)
    sfc = scores + gb_ref[...]

    ri = lax.broadcasted_iota(jnp.int32, (E, NG), 0)
    ci = lax.broadcasted_iota(jnp.int32, (E, NG), 1)
    m1 = (ri // (E // NG) == ci).astype(jnp.float32)

    gs = lax.dot_general(sfc, m1, (((1,), (0,)), ((), ())),
                         precision=lax.Precision.HIGHEST,
                         preferred_element_type=jnp.float32)
    lane8 = lax.broadcasted_iota(jnp.int32, (TB, NG), 1)
    gmask = jnp.zeros((TB, NG), jnp.float32)
    for _ in range(TG):
        m = jnp.max(gs, axis=1, keepdims=True)
        amax = jnp.min(jnp.where(gs == m, lane8, NG), axis=1, keepdims=True)
        pick = lane8 == amax
        gmask = jnp.where(pick, 1.0, gmask)
        gs = jnp.where(pick, _NEG, gs)
    mask16 = lax.dot_general(gmask, m1, (((1,), (1,)), ((), ())),
                             preferred_element_type=jnp.float32)

    masked = jnp.where(mask16 > 0, sfc, _NEG)
    lane16 = lax.broadcasted_iota(jnp.int32, (TB, E), 1)
    idxs, ws, picks = [], [], []
    for _ in range(K):
        m = jnp.max(masked, axis=1, keepdims=True)
        amax = jnp.min(jnp.where(masked == m, lane16, E), axis=1, keepdims=True)
        pick = lane16 == amax
        idxs.append(amax)
        ws.append(jnp.sum(jnp.where(pick, scores, 0.0), axis=1, keepdims=True))
        picks.append(pick)
        masked = jnp.where(pick, _NEG, masked)
    denom = ws[0] + ws[1] + 1e-20
    w0 = ws[0] / denom
    w1 = ws[1] / denom

    cnt = picks[0].astype(jnp.float32) + picks[1].astype(jnp.float32)
    rr = lax.broadcasted_iota(jnp.int32, (TB, TB), 0)
    cc = lax.broadcasted_iota(jnp.int32, (TB, TB), 1)
    ltri = (cc < rr).astype(jnp.float32)
    excl = lax.dot_general(ltri, cnt, (((1,), (0,)), ((), ())),
                           preferred_element_type=jnp.float32) + carry_ref[...]
    carry_ref[...] = carry_ref[...] + jnp.sum(cnt, axis=0, keepdims=True)

    rank0 = jnp.sum(jnp.where(picks[0], excl, 0.0), axis=1,
                    keepdims=True).astype(jnp.int32)
    rank1 = jnp.sum(jnp.where(picks[1], excl, 0.0), axis=1,
                    keepdims=True).astype(jnp.int32)
    base0 = idxs[0] * CAP
    base1 = idxs[1] * CAP
    ok0 = rank0 < CAP
    ok1 = rank1 < CAP
    poss_ref[...] = jnp.concatenate(
        [jnp.where(ok0, base0 + rank0, SLOTS),
         jnp.where(ok1, base1 + rank1, SLOTS)], axis=1)
    posg_ref[...] = jnp.concatenate(
        [jnp.where(ok0, base0 + rank0, base0),
         jnp.where(ok1, base1 + rank1, base1)], axis=1)
    wts_ref[...] = jnp.concatenate(
        [jnp.where(ok0, w0, 0.0), jnp.where(ok1, w1, 0.0)], axis=1)

    @pl.when(tb == NTB - 1)
    def _():
        cnt_ref[...] = jnp.minimum(carry_ref[...], float(CAP)).astype(jnp.int32)


def _route(x, gate_w, gb):
    return pl.pallas_call(
        _routing_body,
        grid=(NTB,),
        in_specs=[
            pl.BlockSpec((TB, D), lambda tb: (tb, 0)),
            pl.BlockSpec((E, D), lambda tb: (0, 0)),
            pl.BlockSpec((1, E), lambda tb: (0, 0)),
        ],
        out_specs=[
            pl.BlockSpec((TB, K), lambda tb: (tb, 0)),
            pl.BlockSpec((TB, K), lambda tb: (tb, 0)),
            pl.BlockSpec((TB, K), lambda tb: (tb, 0)),
            pl.BlockSpec((1, E), lambda tb: (0, 0)),
        ],
        out_shape=[
            jax.ShapeDtypeStruct((T, K), jnp.int32),
            jax.ShapeDtypeStruct((T, K), jnp.int32),
            jax.ShapeDtypeStruct((T, K), jnp.float32),
            jax.ShapeDtypeStruct((1, E), jnp.int32),
        ],
        scratch_shapes=[pltpu.VMEM((1, E), jnp.float32)],
        compiler_params=pltpu.CompilerParams(
            dimension_semantics=("arbitrary",)),
    )(x, gate_w, gb)



def _ffn_step(nrows, x_in, wgu_in, wdn_in, ys_ref, h_ref, ft, nrc=NRC):

    def when_active(rc, fn):
        if nrows is None:
            fn()
        else:
            pl.when(rc * RC < nrows)(fn)

    wboth = wgu_in[...].reshape(2 * FT, D)
    for rc in range(nrc):
        sl = slice(rc * RC, (rc + 1) * RC)

        def gu_step(sl=sl):
            xv = x_in[sl, :]
            gu = lax.dot_general(xv, wboth, (((1,), (1,)), ((), ())),
                                 preferred_element_type=jnp.float32)
            g = gu[:, :FT]
            u = gu[:, FT:]
            h_ref[sl, pl.ds(ft * FT, FT)] = (g * jax.nn.sigmoid(g)) * u

        when_active(rc, gu_step)

    @pl.when(ft == NF - 1)
    def _():
        wd = wdn_in[0]
        for rc in range(nrc):
            sl = slice(rc * RC, (rc + 1) * RC)

            def dn_step(sl=sl):
                ys_ref[sl, :] = lax.dot_general(
                    h_ref[sl, :], wd, (((1,), (1,)), ((), ())),
                    preferred_element_type=jnp.float32)

            when_active(rc, dn_step)


def _mlp_body(cnts_ref, xs_ref, wgu_ref, wdn_ref, dep_ref, ys_ref, h_ref):
    del dep_ref
    rb = pl.program_id(0)
    ft = pl.program_id(1)
    nrows = cnts_ref[0, rb]
    _ffn_step(nrows, xs_ref, wgu_ref, wdn_ref, ys_ref, h_ref, ft)


def _mlp(cnts, xs, wgu, wdn, dep):
    grid_spec = pltpu.PrefetchScalarGridSpec(
        num_scalar_prefetch=1,
        grid=(E, NF),
        in_specs=[
            pl.BlockSpec((CAP, D), lambda rb, ft, c: (rb, 0)),
            pl.BlockSpec((1, 2, FT, D), lambda rb, ft, c: (rb, 0, ft, 0)),
            pl.BlockSpec((1, D, FF), lambda rb, ft, c: (rb, 0, 0)),
            pl.BlockSpec((8, 128), lambda rb, ft, c: (0, 0)),
        ],
        out_specs=pl.BlockSpec((CAP, D), lambda rb, ft, c: (rb, 0)),
        scratch_shapes=[pltpu.VMEM((CAP, FF), jnp.float32)],
    )
    return pl.pallas_call(
        _mlp_body,
        grid_spec=grid_spec,
        out_shape=jax.ShapeDtypeStruct((SLOTS, D), jnp.float32),
        compiler_params=pltpu.CompilerParams(
            dimension_semantics=("arbitrary", "arbitrary"),
            vmem_limit_bytes=60 * 1024 * 1024),
    )(cnts, xs, wgu, wdn, dep)


SHB = T // 2


def _shared_body(x_ref, wgu_ref, wdn_ref, ys_ref, h_ref):
    ft = pl.program_id(0)
    _ffn_step(None, x_ref, wgu_ref, wdn_ref, ys_ref, h_ref, ft, nrc=SHB // RC)


def _shared_dep_body(x_ref, wgu_ref, wdn_ref, dep_ref, ys_ref, h_ref):
    del dep_ref
    _shared_body(x_ref, wgu_ref, wdn_ref, ys_ref, h_ref)


def _shared_mlp_half(x, wgus, wdns, half, dep=None):
    in_specs = [
        pl.BlockSpec((SHB, D), lambda ft: (half, 0)),
        pl.BlockSpec((1, 2, FT, D), lambda ft: (0, 0, ft, 0)),
        pl.BlockSpec((1, D, FF), lambda ft: (0, 0, 0)),
    ]
    operands = [x, wgus, wdns]
    body = _shared_body
    if dep is not None:
        in_specs.append(pl.BlockSpec((8, 128), lambda ft: (0, 0)))
        operands.append(dep)
        body = _shared_dep_body
    return pl.pallas_call(
        body,
        grid=(NF,),
        in_specs=in_specs,
        out_specs=pl.BlockSpec((SHB, D), lambda ft: (0, 0)),
        out_shape=jax.ShapeDtypeStruct((SHB, D), jnp.float32),
        scratch_shapes=[pltpu.VMEM((SHB, FF), jnp.float32)],
        compiler_params=pltpu.CompilerParams(
            dimension_semantics=("arbitrary",),
            vmem_limit_bytes=60 * 1024 * 1024),
    )(*operands)


def _add_body(tmp_ref, a_ref, b_ref, o_ref):
    h = pl.program_id(0)

    @pl.when(h == 0)
    def _():
        o_ref[...] = tmp_ref[...] + a_ref[...]

    @pl.when(h == 1)
    def _():
        o_ref[...] = tmp_ref[...] + b_ref[...]


def _add_shared(tmp, sha, shb):
    return pl.pallas_call(
        _add_body,
        grid=(2, 2),
        in_specs=[
            pl.BlockSpec((CAP, D), lambda h, s: (2 * h + s, 0)),
            pl.BlockSpec((CAP, D), lambda h, s: (s, 0)),
            pl.BlockSpec((CAP, D), lambda h, s: (s, 0)),
        ],
        out_specs=pl.BlockSpec((CAP, D), lambda h, s: (2 * h + s, 0)),
        out_shape=jax.ShapeDtypeStruct((T, D), jnp.float32),
        compiler_params=pltpu.CompilerParams(
            dimension_semantics=("arbitrary", "arbitrary")),
    )(tmp, sha, shb)



@functools.cache
def _sc_kernels():
    mesh = plsc.VectorSubcoreMesh(core_axis_name="c", subcore_axis_name="s",
                                  num_cores=NC, num_subcores=NS)

    @functools.partial(
        pl.kernel,
        mesh=mesh,
        out_type=jax.ShapeDtypeStruct((XS_ROWS, D), jnp.float32),
        scratch_types=[
            pltpu.VMEM((K * CHT,), jnp.int32),
            pltpu.VMEM((K * CHT,), jnp.int32),
            pltpu.VMEM((K * CHT, D), jnp.float32),
            pltpu.SemaphoreType.DMA,
        ],
    )
    def _dispatch(x_hbm, poss_hbm, xs_hbm, dup_v, pos_v, rows_v, sem):
        wid = lax.axis_index("s") * NC + lax.axis_index("c")
        t0 = wid * TPW
        lane = lax.iota(jnp.int32, L)

        def chunk(ci, _):
            tc0 = t0 + ci * CHT
            dup_v[...] = tc0 + lax.shift_right_logical(lane, 1)
            pltpu.sync_copy(poss_hbm.at[pl.ds(tc0 * K, K * CHT)], pos_v)
            pltpu.async_copy(x_hbm.at[dup_v], rows_v, sem).wait()
            pltpu.async_copy(rows_v, xs_hbm.at[pos_v], sem).wait()
            return 0

        lax.fori_loop(0, NCH, chunk, 0)

    @functools.partial(
        pl.kernel,
        mesh=mesh,
        out_type=jax.ShapeDtypeStruct((T, D), jnp.float32),
        scratch_types=[
            pltpu.VMEM((K * CHT,), jnp.int32),
            pltpu.VMEM((K * CHT,), jnp.float32),
            pltpu.VMEM((K * CHT, D), jnp.float32),
            pltpu.VMEM((CHT, D), jnp.float32),
            pltpu.SemaphoreType.DMA,
        ],
        compiler_params=pltpu.CompilerParams(needs_layout_passes=False),
    )
    def _combine(ys_hbm, posg_hbm, wts_hbm, out_hbm, pos_v, w_v,
                 rows_v, o_v, sem):
        wid = lax.axis_index("s") * NC + lax.axis_index("c")
        t0 = wid * TPW

        zero16 = lax.iota(jnp.int32, L) * 0

        def chunk(ci, _):
            tc0 = t0 + ci * CHT
            pltpu.sync_copy(posg_hbm.at[pl.ds(tc0 * K, K * CHT)], pos_v)
            pltpu.sync_copy(wts_hbm.at[pl.ds(tc0 * K, K * CHT)], w_v)
            pltpu.async_copy(ys_hbm.at[pos_v], rows_v, sem).wait()
            for j in range(CHT):
                w1 = plsc.load_gather(w_v, [zero16 + (K * j + 1)])
                if j == 0:
                    w0 = 1.0 - w1
                else:
                    w0 = plsc.load_gather(w_v, [zero16 + (K * j)])

                def col(v, _):
                    sl = pl.ds(v * L, L)
                    o_v[j, sl] = (w0 * rows_v[K * j, sl]
                                  + w1 * rows_v[K * j + 1, sl])
                    return 0

                lax.fori_loop(0, D // L, col, 0)
            pltpu.sync_copy(o_v, out_hbm.at[pl.ds(tc0, CHT)])
            return 0

        lax.fori_loop(0, NCH, chunk, 0)

    return _dispatch, _combine



def kernel(hidden_states, gate_w, gate_bias, w_gate_up, w_down, ws_gate_up,
           ws_down):
    x = hidden_states
    gb = gate_bias.reshape(1, E)
    wgu = w_gate_up.reshape(E, 2, FF, D)
    wgus = ws_gate_up.reshape(1, 2, FF, D)
    wdn = w_down.reshape(E, D, FF)
    wdns = ws_down.reshape(1, D, FF)

    dispatch, combine = _sc_kernels()
    poss, posg, wts, cnts = _route(x, gate_w, gb)
    xs = dispatch(x, poss.reshape(T * K))
    sh_a = _shared_mlp_half(x, wgus, wdns, 0)
    ys = _mlp(cnts, xs, wgu, wdn, sh_a)
    sh_b = _shared_mlp_half(x, wgus, wdns, 1, dep=ys)
    tmp = combine(ys, posg.reshape(T * K), wts.reshape(T * K))
    return _add_shared(tmp, sh_a, sh_b)

# --- scband reference (transcript-rebuilt; emitter-appended) ---
"""Pipeline reference for scband-megrez-moe-decoder-layer-86320252715780 (READ-ONLY COPY).

The authoritative reference and input builder live on the scoring server;
editing this copy changes nothing except your own understanding.
"""

import jax, jax.numpy as jnp
import numpy as np

T = 2048      # tokens (batch=1 x seq_len=2048)
D = 2048      # hidden_size
E = 16        # n_routed_experts
K = 2         # num_experts_per_tok
FF = 1408     # moe_intermediate_size
N_SHARED = 1  # n_shared_experts -> shared MLP intermediate = FF * N_SHARED
NG = 8        # n_group
TG = 4        # topk_group
CAP = 512     # expert capacity = 2 * T*K/E (capacity-factor-2 dispatch)
ROUTED_SCALING = 1.0


def _silu_and_mul(gate_up):
    g, u = jnp.split(gate_up, 2, axis=-1)
    return jax.nn.silu(g) * u


def setup_inputs(seed: int = 0) -> dict:
    key = jax.random.key(seed)
    ks = jax.random.split(key, 8)
    hidden_states = jax.random.normal(ks[0], (T, D), dtype=jnp.float32)
    gate_w = jax.random.normal(ks[1], (E, D), dtype=jnp.float32) * 0.02          # MoEGate.weight
    gate_bias = jax.random.normal(ks[2], (E,), dtype=jnp.float32) * 0.01         # e_score_correction_bias (noaux_tc)
    w_gate_up = jax.random.normal(ks[3], (E, 2 * FF, D), dtype=jnp.float32) * 0.02  # routed experts gate_up_proj
    w_down = jax.random.normal(ks[4], (E, D, FF), dtype=jnp.float32) * 0.02         # routed experts down_proj
    ws_gate_up = jax.random.normal(ks[5], (2 * FF * N_SHARED, D), dtype=jnp.float32) * 0.02  # shared experts gate_up
    ws_down = jax.random.normal(ks[6], (D, FF * N_SHARED), dtype=jnp.float32) * 0.02         # shared experts down
    return {
        'hidden_states': hidden_states,
        'gate_w': gate_w,
        'gate_bias': gate_bias,
        'w_gate_up': w_gate_up,
        'w_down': w_down,
        'ws_gate_up': ws_gate_up,
        'ws_down': ws_down,
    }


def reference(hidden_states, gate_w, gate_bias, w_gate_up, w_down, ws_gate_up, ws_down):
    x = hidden_states
    # ---- shared experts (MegrezMoeMLP, SiluAndMul) ----
    shared_out = _silu_and_mul(x @ ws_gate_up.T) @ ws_down.T
    # ---- MoEGate: router logits ----
    logits = x @ gate_w.T                                   # [T, E]
    # ---- biased grouped top-k (noaux_tc / select_experts with correction bias) ----
    scores = jax.nn.sigmoid(logits)
    scores_for_choice = scores + gate_bias[None, :]
    gpg = E // NG
    group_scores = scores_for_choice.reshape(T, NG, gpg)
    group_score = jax.lax.top_k(group_scores, min(2, gpg))[0].sum(-1)   # sum of top-2 per group
    grp_idx = jax.lax.top_k(group_score, TG)[1]                          # [T, TG]
    group_mask = jnp.zeros((T, NG), dtype=jnp.float32).at[jnp.arange(T)[:, None], grp_idx].set(1.0)
    score_mask = jnp.repeat(group_mask, gpg, axis=1)                     # [T, E]
    masked = jnp.where(score_mask > 0, scores_for_choice, -jnp.inf)
    topk_idx = jax.lax.top_k(masked, K)[1]                               # [T, K]
    topk_w = jnp.take_along_axis(scores, topk_idx, axis=1)               # weights from un-biased scores
    topk_w = topk_w / (topk_w.sum(-1, keepdims=True) + 1e-20)            # norm_topk_prob renormalize
    # ---- expert dispatch (fused MoE, capacity-based gather) ----
    assign_w = jnp.zeros((T, E), dtype=jnp.float32).at[jnp.arange(T)[:, None], topk_idx].add(topk_w)
    out = jnp.zeros_like(x)
    for e in range(E):
        w_e, tok = jax.lax.top_k(assign_w[:, e], CAP)       # tokens routed to expert e (weight 0 slots are no-ops)
        xe = x[tok]
        ye = _silu_and_mul(xe @ w_gate_up[e].T) @ w_down[e].T
        out = out.at[tok].add(w_e[:, None] * ye)
    final = out * ROUTED_SCALING + shared_out
    return final


if False:  # reference __main__ guard neutralized (emitter)
    inp = setup_inputs()
    y = reference(**inp)
    print(y.shape, float(jnp.abs(y).mean()))

if __name__ == "__main__":
    import jax
    _d = setup_inputs()
    print(jax.jit(kernel)(*tuple(_d.values())))

</pallas_src>

<mosaic_0001>
#map = affine_map<(d0, d1) -> (0, 0)>
#map1 = affine_map<(d0, d1) -> (0)>
module attributes {stable_mosaic.version = 14 : i64} {
  func.func @_dispatch(%arg0: i32, %arg1: i32, %arg2: memref<2048x2048xf32, #tpu.memory_space<hbm>>, %arg3: memref<4096xi32, #tpu.memory_space<hbm>>, %arg4: memref<8704x2048xf32, #tpu.memory_space<hbm>>, %arg5: memref<16xi32, #tpu.memory_space<vmem>>, %arg6: memref<16xi32, #tpu.memory_space<vmem>>, %arg7: memref<16x2048xf32, #tpu.memory_space<vmem>>, %arg8: memref<!tpu.dma_semaphore, #tpu.memory_space<semaphore_mem>>) attributes {dimension_semantics = [#tpu.dimension_semantics<core_parallel>, #tpu.dimension_semantics<subcore_parallel>], iteration_bounds = array<i64: 2, 16>, scalar_prefetch = 0 : i64, scratch_operands = 4 : i64, tpu.core_type = #tpu.core_type<sc_vector_subcore>, window_params = [{transform_indices = #map}, {transform_indices = #map1}, {transform_indices = #map}]} {
    %mul3A = arith.constant 2 : i32
    %mul3A_0 = arith.muli %arg1, %mul3A : i32
    %add3A = arith.addi %mul3A_0, %arg0 : i32
    %mul3A_1 = arith.constant 64 : i32
    %mul3A_2 = arith.muli %add3A, %mul3A_1 : i32
    %iota3A = tpu.iota {dimensions = array<i32: 0>} : vector<16xi32>
    %scan3A = arith.constant 0 : i32
    %scan3A_3 = arith.constant 0 : i32
    %scan3A_4 = arith.constant 8 : i32
    %scan3A_5 = arith.addi %scan3A_3, %scan3A_4 : i32
    %scan3A_6 = arith.constant 1 : i32
    %scan3A_7 = scf.for %scan3A_9 = %scan3A_3 to %scan3A_5 step %scan3A_6 iter_args(%scan3A_10 = %scan3A) -> (i32)  : i32 {
      %mul3A_11 = arith.constant 8 : i32
      %mul3A_12 = arith.muli %scan3A_9, %mul3A_11 : i32
      %add3A_13 = arith.addi %mul3A_2, %mul3A_12 : i32
      %shift_right_logical3A = arith.constant 1 : i32
      %shift_right_logical3A_14 = vector.broadcast %shift_right_logical3A : i32 to vector<16xi32>
      %shift_right_logical3A_15 = arith.shrui %iota3A, %shift_right_logical3A_14 : vector<16xi32>
      %add3A_16 = vector.broadcast %add3A_13 : i32 to vector<16xi32>
      %add3A_17 = arith.addi %add3A_16, %shift_right_logical3A_15 : vector<16xi32>
      %swap3A = arith.constant 0 : index
      %swap3A_18 = tpu.vector_load %arg5[%swap3A] {strides = array<i32>} : memref<16xi32, #tpu.memory_space<vmem>>, vector<16xi32>,
      %swap3A_19 = vector.shape_cast %swap3A_18 : vector<16xi32> to vector<16xi32>
      %swap3A_20 = vector.shape_cast %add3A_17 : vector<16xi32> to vector<16xi32>
      tpu.vector_store %arg5[%swap3A], %swap3A_20 {strides = array<i32>} : memref<16xi32, #tpu.memory_space<vmem>>, vector<16xi32>,
      %mul3A_21 = arith.constant 2 : i32
      %mul3A_22 = arith.muli %add3A_13, %mul3A_21 : i32
      "tpu.region"() ({
        %run_scoped3A = tpu.sem_alloc : memref<!tpu.dma_semaphore, #tpu.memory_space<semaphore_mem>>
        %dma_start3A_34 = tpu.memref_slice %arg3[%mul3A_22] : memref<4096xi32, #tpu.memory_space<hbm>> -> memref<16xi32, #tpu.memory_space<hbm>>
        %dma_start3A_35 = tpu.memref_slice %arg3[%mul3A_22] : memref<4096xi32, #tpu.memory_space<hbm>> -> memref<16xi32, #tpu.memory_space<hbm>>
        tpu.enqueue_dma source(%dma_start3A_35 : memref<16xi32, #tpu.memory_space<hbm>>) target(%arg6 : memref<16xi32, #tpu.memory_space<vmem>>) target_semaphore(%run_scoped3A : memref<!tpu.dma_semaphore, #tpu.memory_space<semaphore_mem>>)
        %dma_wait3A_36 = tpu.memref_slice %arg3[%mul3A_22] : memref<4096xi32, #tpu.memory_space<hbm>> -> memref<16xi32, #tpu.memory_space<hbm>>
        %dma_wait3A_37 = tpu.memref_slice %arg3[%mul3A_22] : memref<4096xi32, #tpu.memory_space<hbm>> -> memref<16xi32, #tpu.memory_space<hbm>>
        tpu.wait_dma2 semaphore(%run_scoped3A : memref<!tpu.dma_semaphore, #tpu.memory_space<semaphore_mem>>) src(%dma_wait3A_37 : memref<16xi32, #tpu.memory_space<hbm>>) dst(%arg6 : memref<16xi32, #tpu.memory_space<vmem>>)
        tpu.yield
      }) : () -> ()
      %dma_start3A = arith.constant 0 : i32
      %dma_start3A_23 = arith.constant 0 : i32
      %dma_start3A_24 = tpu.memref_slice %arg2[%dma_start3A, %dma_start3A_23] : memref<2048x2048xf32, #tpu.memory_space<hbm>> -> memref<2048x2048xf32, #tpu.memory_space<hbm>>
      tpu.enqueue_indirect_dma source(%dma_start3A_24 : memref<2048x2048xf32, #tpu.memory_space<hbm>>) target(%arg7 : memref<16x2048xf32, #tpu.memory_space<vmem>>) offsets(%arg5 : memref<16xi32, #tpu.memory_space<vmem>>) semaphore(%arg8 : memref<!tpu.dma_semaphore, #tpu.memory_space<semaphore_mem>>)
      %dma_wait3A = arith.constant 0 : i32
      %dma_wait3A_25 = arith.constant 0 : i32
      %dma_wait3A_26 = tpu.memref_slice %arg2[%dma_wait3A, %dma_wait3A_25] : memref<2048x2048xf32, #tpu.memory_space<hbm>> -> memref<2048x2048xf32, #tpu.memory_space<hbm>>
      tpu.wait_indirect_dma semaphore(%arg8 : memref<!tpu.dma_semaphore, #tpu.memory_space<semaphore_mem>>) src(%dma_wait3A_26 : memref<2048x2048xf32, #tpu.memory_space<hbm>>) dst(%arg7 : memref<16x2048xf32, #tpu.memory_space<vmem>>)
      %dma_start3A_27 = arith.constant 0 : i32
      %dma_start3A_28 = arith.constant 0 : i32
      %dma_start3A_29 = tpu.memref_slice %arg4[%dma_start3A_27, %dma_start3A_28] : memref<8704x2048xf32, #tpu.memory_space<hbm>> -> memref<8704x2048xf32, #tpu.memory_space<hbm>>
      tpu.enqueue_indirect_dma source(%arg7 : memref<16x2048xf32, #tpu.memory_space<vmem>>) target(%dma_start3A_29 : memref<8704x2048xf32, #tpu.memory_space<hbm>>) offsets(%arg6 : memref<16xi32, #tpu.memory_space<vmem>>) semaphore(%arg8 : memref<!tpu.dma_semaphore, #tpu.memory_space<semaphore_mem>>)
      %dma_wait3A_30 = arith.constant 0 : i32
      %dma_wait3A_31 = arith.constant 0 : i32
      %dma_wait3A_32 = tpu.memref_slice %arg4[%dma_wait3A_30, %dma_wait3A_31] : memref<8704x2048xf32, #tpu.memory_space<hbm>> -> memref<8704x2048xf32, #tpu.memory_space<hbm>>
      tpu.wait_indirect_dma semaphore(%arg8 : memref<!tpu.dma_semaphore, #tpu.memory_space<semaphore_mem>>) src(%arg7 : memref<16x2048xf32, #tpu.memory_space<vmem>>) dst(%dma_wait3A_32 : memref<8704x2048xf32, #tpu.memory_space<hbm>>)
      %scan3A_33 = arith.constant 0 : i32
      scf.yield %scan3A_33 : i32
    }
    %scan3A_8 = arith.constant 8 : i32
    return
  }
}

#map = affine_map<(d0, d1) -> (0, 0)>
#map1 = affine_map<(d0, d1) -> (0)>
module attributes {stable_mosaic.version = 14 : i64} {
  func.func @_combine(%arg0: i32, %arg1: i32, %arg2: memref<8192x2048xf32, #tpu.memory_space<hbm>>, %arg3: memref<4096xi32, #tpu.memory_space<hbm>>, %arg4: memref<4096xf32, #tpu.memory_space<hbm>>, %arg5: memref<2048x2048xf32, #tpu.memory_space<hbm>>, %arg6: memref<16xi32, #tpu.memory_space<vmem>>, %arg7: memref<16xf32, #tpu.memory_space<vmem>>, %arg8: memref<16x2048xf32, #tpu.memory_space<vmem>>, %arg9: memref<8x2048xf32, #tpu.memory_space<vmem>>, %arg10: memref<!tpu.dma_semaphore, #tpu.memory_space<semaphore_mem>>) attributes {dimension_semantics = [#tpu.dimension_semantics<core_parallel>, #tpu.dimension_semantics<subcore_parallel>], iteration_bounds = array<i64: 2, 16>, scalar_prefetch = 0 : i64, scratch_operands = 5 : i64, tpu.core_type = #tpu.core_type<sc_vector_subcore>, window_params = [{transform_indices = #map}, {transform_indices = #map1}, {transform_indices = #map1}, {transform_indices = #map}]} {
    %mul3A = arith.constant 2 : i32
    %mul3A_0 = arith.muli %arg1, %mul3A : i32
    %add3A = arith.addi %mul3A_0, %arg0 : i32
    %mul3A_1 = arith.constant 64 : i32
    %mul3A_2 = arith.muli %add3A, %mul3A_1 : i32
    %iota3A = tpu.iota {dimensions = array<i32: 0>} : vector<16xi32>
    %mul3A_3 = arith.constant 0 : i32
    %mul3A_4 = vector.broadcast %mul3A_3 : i32 to vector<16xi32>
    %mul3A_5 = arith.muli %iota3A, %mul3A_4 : vector<16xi32>
    %scan3A = arith.constant 0 : i32
    %scan3A_6 = arith.constant 0 : i32
    %scan3A_7 = arith.constant 8 : i32
    %scan3A_8 = arith.addi %scan3A_6, %scan3A_7 : i32
    %scan3A_9 = arith.constant 1 : i32
    %scan3A_10 = scf.for %scan3A_12 = %scan3A_6 to %scan3A_8 step %scan3A_9 iter_args(%scan3A_13 = %scan3A) -> (i32)  : i32 {
      %mul3A_14 = arith.constant 8 : i32
      %mul3A_15 = arith.muli %scan3A_12, %mul3A_14 : i32
      %add3A_16 = arith.addi %mul3A_2, %mul3A_15 : i32
      %mul3A_17 = arith.constant 2 : i32
      %mul3A_18 = arith.muli %add3A_16, %mul3A_17 : i32
      "tpu.region"() ({
        %run_scoped3A = tpu.sem_alloc : memref<!tpu.dma_semaphore, #tpu.memory_space<semaphore_mem>>
        %dma_start3A_143 = tpu.memref_slice %arg3[%mul3A_18] : memref<4096xi32, #tpu.memory_space<hbm>> -> memref<16xi32, #tpu.memory_space<hbm>>
        %dma_start3A_144 = tpu.memref_slice %arg3[%mul3A_18] : memref<4096xi32, #tpu.memory_space<hbm>> -> memref<16xi32, #tpu.memory_space<hbm>>
        tpu.enqueue_dma source(%dma_start3A_144 : memref<16xi32, #tpu.memory_space<hbm>>) target(%arg6 : memref<16xi32, #tpu.memory_space<vmem>>) target_semaphore(%run_scoped3A : memref<!tpu.dma_semaphore, #tpu.memory_space<semaphore_mem>>)
        %dma_wait3A_145 = tpu.memref_slice %arg3[%mul3A_18] : memref<4096xi32, #tpu.memory_space<hbm>> -> memref<16xi32, #tpu.memory_space<hbm>>
        %dma_wait3A_146 = tpu.memref_slice %arg3[%mul3A_18] : memref<4096xi32, #tpu.memory_space<hbm>> -> memref<16xi32, #tpu.memory_space<hbm>>
        tpu.wait_dma2 semaphore(%run_scoped3A : memref<!tpu.dma_semaphore, #tpu.memory_space<semaphore_mem>>) src(%dma_wait3A_146 : memref<16xi32, #tpu.memory_space<hbm>>) dst(%arg6 : memref<16xi32, #tpu.memory_space<vmem>>)
        tpu.yield
      }) : () -> ()
      %mul3A_19 = arith.constant 2 : i32
      %mul3A_20 = arith.muli %add3A_16, %mul3A_19 : i32
      "tpu.region"() ({
        %run_scoped3A = tpu.sem_alloc : memref<!tpu.dma_semaphore, #tpu.memory_space<semaphore_mem>>
        %dma_start3A_143 = tpu.memref_slice %arg4[%mul3A_20] : memref<4096xf32, #tpu.memory_space<hbm>> -> memref<16xf32, #tpu.memory_space<hbm>>
        %dma_start3A_144 = tpu.memref_slice %arg4[%mul3A_20] : memref<4096xf32, #tpu.memory_space<hbm>> -> memref<16xf32, #tpu.memory_space<hbm>>
        tpu.enqueue_dma source(%dma_start3A_144 : memref<16xf32, #tpu.memory_space<hbm>>) target(%arg7 : memref<16xf32, #tpu.memory_space<vmem>>) target_semaphore(%run_scoped3A : memref<!tpu.dma_semaphore, #tpu.memory_space<semaphore_mem>>)
        %dma_wait3A_145 = tpu.memref_slice %arg4[%mul3A_20] : memref<4096xf32, #tpu.memory_space<hbm>> -> memref<16xf32, #tpu.memory_space<hbm>>
        %dma_wait3A_146 = tpu.memref_slice %arg4[%mul3A_20] : memref<4096xf32, #tpu.memory_space<hbm>> -> memref<16xf32, #tpu.memory_space<hbm>>
        tpu.wait_dma2 semaphore(%run_scoped3A : memref<!tpu.dma_semaphore, #tpu.memory_space<semaphore_mem>>) src(%dma_wait3A_146 : memref<16xf32, #tpu.memory_space<hbm>>) dst(%arg7 : memref<16xf32, #tpu.memory_space<vmem>>)
        tpu.yield
      }) : () -> ()
      %dma_start3A = arith.constant 0 : i32
      %dma_start3A_21 = arith.constant 0 : i32
      %dma_start3A_22 = tpu.memref_slice %arg2[%dma_start3A, %dma_start3A_21] : memref<8192x2048xf32, #tpu.memory_space<hbm>> -> memref<8192x2048xf32, #tpu.memory_space<hbm>>
      tpu.enqueue_indirect_dma source(%dma_start3A_22 : memref<8192x2048xf32, #tpu.memory_space<hbm>>) target(%arg8 : memref<16x2048xf32, #tpu.memory_space<vmem>>) offsets(%arg6 : memref<16xi32, #tpu.memory_space<vmem>>) semaphore(%arg10 : memref<!tpu.dma_semaphore, #tpu.memory_space<semaphore_mem>>)
      %dma_wait3A = arith.constant 0 : i32
      %dma_wait3A_23 = arith.constant 0 : i32
      %dma_wait3A_24 = tpu.memref_slice %arg2[%dma_wait3A, %dma_wait3A_23] : memref<8192x2048xf32, #tpu.memory_space<hbm>> -> memref<8192x2048xf32, #tpu.memory_space<hbm>>
      tpu.wait_indirect_dma semaphore(%arg10 : memref<!tpu.dma_semaphore, #tpu.memory_space<semaphore_mem>>) src(%dma_wait3A_24 : memref<8192x2048xf32, #tpu.memory_space<hbm>>) dst(%arg8 : memref<16x2048xf32, #tpu.memory_space<vmem>>)
      %add3A_25 = arith.constant 1 : i32
      %add3A_26 = vector.broadcast %add3A_25 : i32 to vector<16xi32>
      %add3A_27 = arith.addi %mul3A_5, %add3A_26 : vector<16xi32>
      %gather3A = tpu.vector_load_idx %arg7[%add3A_27] : memref<16xf32, #tpu.memory_space<vmem>>[vector<16xi32>], vector<16xf32>,
      %sub3A = arith.constant 1.000000e+00 : f32
      %sub3A_28 = vector.broadcast %sub3A : f32 to vector<16xf32>
      %sub3A_29 = arith.subf %sub3A_28, %gather3A : vector<16xf32>
      %scan3A_30 = arith.constant 0 : i32
      %scan3A_31 = arith.constant 0 : i32
      %scan3A_32 = arith.constant 128 : i32
      %scan3A_33 = arith.addi %scan3A_31, %scan3A_32 : i32
      %scan3A_34 = arith.constant 1 : i32
      %scan3A_35 = scf.for %scan3A_143 = %scan3A_31 to %scan3A_33 step %scan3A_34 iter_args(%scan3A_144 = %scan3A_30) -> (i32)  : i32 {
        %mul3A_145 = arith.constant 16 : i32
        %mul3A_146 = arith.muli %scan3A_143, %mul3A_145 : i32
        %get3A = arith.constant 0 : i32
        %get3A_147 = arith.index_cast %get3A : i32 to index
        %get3A_148 = arith.index_cast %mul3A_146 : i32 to index
        %get3A_149 = tpu.vector_load %arg8[%get3A_147, %get3A_148] {strides = array<i32>} : memref<16x2048xf32, #tpu.memory_space<vmem>>, vector<16xf32>,
        %mul3A_150 = arith.mulf %sub3A_29, %get3A_149 : vector<16xf32>
        %get3A_151 = arith.constant 1 : i32
        %get3A_152 = arith.index_cast %get3A_151 : i32 to index
        %get3A_153 = arith.index_cast %mul3A_146 : i32 to index
        %get3A_154 = tpu.vector_load %arg8[%get3A_152, %get3A_153] {strides = array<i32>} : memref<16x2048xf32, #tpu.memory_space<vmem>>, vector<16xf32>,
        %mul3A_155 = arith.mulf %gather3A, %get3A_154 : vector<16xf32>
        %add3A_156 = arith.addf %mul3A_150, %mul3A_155 : vector<16xf32>
        %swap3A = arith.constant 0 : i32
        %swap3A_157 = arith.index_cast %swap3A : i32 to index
        %swap3A_158 = arith.index_cast %mul3A_146 : i32 to index
        %swap3A_159 = tpu.vector_load %arg9[%swap3A_157, %swap3A_158] {strides = array<i32>} : memref<8x2048xf32, #tpu.memory_space<vmem>>, vector<16xf32>,
        tpu.vector_store %arg9[%swap3A_157, %swap3A_158], %add3A_156 {strides = array<i32>} : memref<8x2048xf32, #tpu.memory_space<vmem>>, vector<16xf32>,
        %scan3A_160 = arith.constant 0 : i32
        scf.yield %scan3A_160 : i32
      }
      %scan3A_36 = arith.constant 128 : i32
      %add3A_37 = arith.constant 3 : i32
      %add3A_38 = vector.broadcast %add3A_37 : i32 to vector<16xi32>
      %add3A_39 = arith.addi %mul3A_5, %add3A_38 : vector<16xi32>
      %gather3A_40 = tpu.vector_load_idx %arg7[%add3A_39] : memref<16xf32, #tpu.memory_space<vmem>>[vector<16xi32>], vector<16xf32>,
      %add3A_41 = arith.constant 2 : i32
      %add3A_42 = vector.broadcast %add3A_41 : i32 to vector<16xi32>
      %add3A_43 = arith.addi %mul3A_5, %add3A_42 : vector<16xi32>
      %gather3A_44 = tpu.vector_load_idx %arg7[%add3A_43] : memref<16xf32, #tpu.memory_space<vmem>>[vector<16xi32>], vector<16xf32>,
      %scan3A_45 = arith.constant 0 : i32
      %scan3A_46 = arith.constant 0 : i32
      %scan3A_47 = arith.constant 128 : i32
      %scan3A_48 = arith.addi %scan3A_46, %scan3A_47 : i32
      %scan3A_49 = arith.constant 1 : i32
      %scan3A_50 = scf.for %scan3A_143 = %scan3A_46 to %scan3A_48 step %scan3A_49 iter_args(%scan3A_144 = %scan3A_45) -> (i32)  : i32 {
        %mul3A_145 = arith.constant 16 : i32
        %mul3A_146 = arith.muli %scan3A_143, %mul3A_145 : i32
        %get3A = arith.constant 2 : i32
        %get3A_147 = arith.index_cast %get3A : i32 to index
        %get3A_148 = arith.index_cast %mul3A_146 : i32 to index
        %get3A_149 = tpu.vector_load %arg8[%get3A_147, %get3A_148] {strides = array<i32>} : memref<16x2048xf32, #tpu.memory_space<vmem>>, vector<16xf32>,
        %mul3A_150 = arith.mulf %gather3A_44, %get3A_149 : vector<16xf32>
        %get3A_151 = arith.constant 3 : i32
        %get3A_152 = arith.index_cast %get3A_151 : i32 to index
        %get3A_153 = arith.index_cast %mul3A_146 : i32 to index
        %get3A_154 = tpu.vector_load %arg8[%get3A_152, %get3A_153] {strides = array<i32>} : memref<16x2048xf32, #tpu.memory_space<vmem>>, vector<16xf32>,
        %mul3A_155 = arith.mulf %gather3A_40, %get3A_154 : vector<16xf32>
        %add3A_156 = arith.addf %mul3A_150, %mul3A_155 : vector<16xf32>
        %swap3A = arith.constant 1 : i32
        %swap3A_157 = arith.index_cast %swap3A : i32 to index
        %swap3A_158 = arith.index_cast %mul3A_146 : i32 to index
        %swap3A_159 = tpu.vector_load %arg9[%swap3A_157, %swap3A_158] {strides = array<i32>} : memref<8x2048xf32, #tpu.memory_space<vmem>>, vector<16xf32>,
        tpu.vector_store %arg9[%swap3A_157, %swap3A_158], %add3A_156 {strides = array<i32>} : memref<8x2048xf32, #tpu.memory_space<vmem>>, vector<16xf32>,
        %scan3A_160 = arith.constant 0 : i32
        scf.yield %scan3A_160 : i32
      }
      %scan3A_51 = arith.constant 128 : i32
      %add3A_52 = arith.constant 5 : i32
      %add3A_53 = vector.broadcast %add3A_52 : i32 to vector<16xi32>
      %add3A_54 = arith.addi %mul3A_5, %add3A_53 : vector<16xi32>
      %gather3A_55 = tpu.vector_load_idx %arg7[%add3A_54] : memref<16xf32, #tpu.memory_space<vmem>>[vector<16xi32>], vector<16xf32>,
      %add3A_56 = arith.constant 4 : i32
      %add3A_57 = vector.broadcast %add3A_56 : i32 to vector<16xi32>
      %add3A_58 = arith.addi %mul3A_5, %add3A_57 : vector<16xi32>
      %gather3A_59 = tpu.vector_load_idx %arg7[%add3A_58] : memref<16xf32, #tpu.memory_space<vmem>>[vector<16xi32>], vector<16xf32>,
      %scan3A_60 = arith.constant 0 : i32
      %scan3A_61 = arith.constant 0 : i32
      %scan3A_62 = arith.constant 128 : i32
      %scan3A_63 = arith.addi %scan3A_61, %scan3A_62 : i32
      %scan3A_64 = arith.constant 1 : i32
      %scan3A_65 = scf.for %scan3A_143 = %scan3A_61 to %scan3A_63 step %scan3A_64 iter_args(%scan3A_144 = %scan3A_60) -> (i32)  : i32 {
        %mul3A_145 = arith.constant 16 : i32
        %mul3A_146 = arith.muli %scan3A_143, %mul3A_145 : i32
        %get3A = arith.constant 4 : i32
        %get3A_147 = arith.index_cast %get3A : i32 to index
        %get3A_148 = arith.index_cast %mul3A_146 : i32 to index
        %get3A_149 = tpu.vector_load %arg8[%get3A_147, %get3A_148] {strides = array<i32>} : memref<16x2048xf32, #tpu.memory_space<vmem>>, vector<16xf32>,
        %mul3A_150 = arith.mulf %gather3A_59, %get3A_149 : vector<16xf32>
        %get3A_151 = arith.constant 5 : i32
        %get3A_152 = arith.index_cast %get3A_151 : i32 to index
        %get3A_153 = arith.index_cast %mul3A_146 : i32 to index
        %get3A_154 = tpu.vector_load %arg8[%get3A_152, %get3A_153] {strides = array<i32>} : memref<16x2048xf32, #tpu.memory_space<vmem>>, vector<16xf32>,
        %mul3A_155 = arith.mulf %gather3A_55, %get3A_154 : vector<16xf32>
        %add3A_156 = arith.addf %mul3A_150, %mul3A_155 : vector<16xf32>
        %swap3A = arith.constant 2 : i32
        %swap3A_157 = arith.index_cast %swap3A : i32 to index
        %swap3A_158 = arith.index_cast %mul3A_146 : i32 to index
        %swap3A_159 = tpu.vector_load %arg9[%swap3A_157, %swap3A_158] {strides = array<i32>} : memref<8x2048xf32, #tpu.memory_space<vmem>>, vector<16xf32>,
        tpu.vector_store %arg9[%swap3A_157, %swap3A_158], %add3A_156 {strides = array<i32>} : memref<8x2048xf32, #tpu.memory_space<vmem>>, vector<16xf32>,
        %scan3A_160 = arith.constant 0 : i32
        scf.yield %scan3A_160 : i32
      }
      %scan3A_66 = arith.constant 128 : i32
      %add3A_67 = arith.constant 7 : i32
      %add3A_68 = vector.broadcast %add3A_67 : i32 to vector<16xi32>
      %add3A_69 = arith.addi %mul3A_5, %add3A_68 : vector<16xi32>
      %gather3A_70 = tpu.vector_load_idx %arg7[%add3A_69] : memref<16xf32, #tpu.memory_space<vmem>>[vector<16xi32>], vector<16xf32>,
      %add3A_71 = arith.constant 6 : i32
      %add3A_72 = vector.broadcast %add3A_71 : i32 to vector<16xi32>
      %add3A_73 = arith.addi %mul3A_5, %add3A_72 : vector<16xi32>
      %gather3A_74 = tpu.vector_load_idx %arg7[%add3A_73] : memref<16xf32, #tpu.memory_space<vmem>>[vector<16xi32>], vector<16xf32>,
      %scan3A_75 = arith.constant 0 : i32
      %scan3A_76 = arith.constant 0 : i32
      %scan3A_77 = arith.constant 128 : i32
      %scan3A_78 = arith.addi %scan3A_76, %scan3A_77 : i32
      %scan3A_79 = arith.constant 1 : i32
      %scan3A_80 = scf.for %scan3A_143 = %scan3A_76 to %scan3A_78 step %scan3A_79 iter_args(%scan3A_144 = %scan3A_75) -> (i32)  : i32 {
        %mul3A_145 = arith.constant 16 : i32
        %mul3A_146 = arith.muli %scan3A_143, %mul3A_145 : i32
        %get3A = arith.constant 6 : i32
        %get3A_147 = arith.index_cast %get3A : i32 to index
        %get3A_148 = arith.index_cast %mul3A_146 : i32 to index
        %get3A_149 = tpu.vector_load %arg8[%get3A_147, %get3A_148] {strides = array<i32>} : memref<16x2048xf32, #tpu.memory_space<vmem>>, vector<16xf32>,
        %mul3A_150 = arith.mulf %gather3A_74, %get3A_149 : vector<16xf32>
        %get3A_151 = arith.constant 7 : i32
        %get3A_152 = arith.index_cast %get3A_151 : i32 to index
        %get3A_153 = arith.index_cast %mul3A_146 : i32 to index
        %get3A_154 = tpu.vector_load %arg8[%get3A_152, %get3A_153] {strides = array<i32>} : memref<16x2048xf32, #tpu.memory_space<vmem>>, vector<16xf32>,
        %mul3A_155 = arith.mulf %gather3A_70, %get3A_154 : vector<16xf32>
        %add3A_156 = arith.addf %mul3A_150, %mul3A_155 : vector<16xf32>
        %swap3A = arith.constant 3 : i32
        %swap3A_157 = arith.index_cast %swap3A : i32 to index
        %swap3A_158 = arith.index_cast %mul3A_146 : i32 to index
        %swap3A_159 = tpu.vector_load %arg9[%swap3A_157, %swap3A_158] {strides = array<i32>} : memref<8x2048xf32, #tpu.memory_space<vmem>>, vector<16xf32>,
        tpu.vector_store %arg9[%swap3A_157, %swap3A_158], %add3A_156 {strides = array<i32>} : memref<8x2048xf32, #tpu.memory_space<vmem>>, vector<16xf32>,
        %scan3A_160 = arith.constant 0 : i32
        scf.yield %scan3A_160 : i32
      }
      %scan3A_81 = arith.constant 128 : i32
      %add3A_82 = arith.constant 9 : i32
      %add3A_83 = vector.broadcast %add3A_82 : i32 to vector<16xi32>
      %add3A_84 = arith.addi %mul3A_5, %add3A_83 : vector<16xi32>
      %gather3A_85 = tpu.vector_load_idx %arg7[%add3A_84] : memref<16xf32, #tpu.memory_space<vmem>>[vector<16xi32>], vector<16xf32>,
      %add3A_86 = arith.constant 8 : i32
      %add3A_87 = vector.broadcast %add3A_86 : i32 to vector<16xi32>
      %add3A_88 = arith.addi %mul3A_5, %add3A_87 : vector<16xi32>
      %gather3A_89 = tpu.vector_load_idx %arg7[%add3A_88] : memref<16xf32, #tpu.memory_space<vmem>>[vector<16xi32>], vector<16xf32>,
      %scan3A_90 = arith.constant 0 : i32
      %scan3A_91 = arith.constant 0 : i32
      %scan3A_92 = arith.constant 128 : i32
      %scan3A_93 = arith.addi %scan3A_91, %scan3A_92 : i32
      %scan3A_94 = arith.constant 1 : i32
      %scan3A_95 = scf.for %scan3A_143 = %scan3A_91 to %scan3A_93 step %scan3A_94 iter_args(%scan3A_144 = %scan3A_90) -> (i32)  : i32 {
        %mul3A_145 = arith.constant 16 : i32
        %mul3A_146 = arith.muli %scan3A_143, %mul3A_145 : i32
        %get3A = arith.constant 8 : i32
        %get3A_147 = arith.index_cast %get3A : i32 to index
        %get3A_148 = arith.index_cast %mul3A_146 : i32 to index
        %get3A_149 = tpu.vector_load %arg8[%get3A_147, %get3A_148] {strides = array<i32>} : memref<16x2048xf32, #tpu.memory_space<vmem>>, vector<16xf32>,
        %mul3A_150 = arith.mulf %gather3A_89, %get3A_149 : vector<16xf32>
        %get3A_151 = arith.constant 9 : i32
        %get3A_152 = arith.index_cast %get3A_151 : i32 to index
        %get3A_153 = arith.index_cast %mul3A_146 : i32 to index
        %get3A_154 = tpu.vector_load %arg8[%get3A_152, %get3A_153] {strides = array<i32>} : memref<16x2048xf32, #tpu.memory_space<vmem>>, vector<16xf32>,
        %mul3A_155 = arith.mulf %gather3A_85, %get3A_154 : vector<16xf32>
        %add3A_156 = arith.addf %mul3A_150, %mul3A_155 : vector<16xf32>
        %swap3A = arith.constant 4 : i32
        %swap3A_157 = arith.index_cast %swap3A : i32 to index
        %swap3A_158 = arith.index_cast %mul3A_146 : i32 to index
        %swap3A_159 = tpu.vector_load %arg9[%swap3A_157, %swap3A_158] {strides = array<i32>} : memref<8x2048xf32, #tpu.memory_space<vmem>>, vector<16xf32>,
        tpu.vector_store %arg9[%swap3A_157, %swap3A_158], %add3A_156 {strides = array<i32>} : memref<8x2048xf32, #tpu.memory_space<vmem>>, vector<16xf32>,
        %scan3A_160 = arith.constant 0 : i32
        scf.yield %scan3A_160 : i32
      }
      %scan3A_96 = arith.constant 128 : i32
      %add3A_97 = arith.constant 11 : i32
      %add3A_98 = vector.broadcast %add3A_97 : i32 to vector<16xi32>
      %add3A_99 = arith.addi %mul3A_5, %add3A_98 : vector<16xi32>
      %gather3A_100 = tpu.vector_load_idx %arg7[%add3A_99] : memref<16xf32, #tpu.memory_space<vmem>>[vector<16xi32>], vector<16xf32>,
      %add3A_101 = arith.constant 10 : i32
      %add3A_102 = vector.broadcast %add3A_101 : i32 to vector<16xi32>
      %add3A_103 = arith.addi %mul3A_5, %add3A_102 : vector<16xi32>
      %gather3A_104 = tpu.vector_load_idx %arg7[%add3A_103] : memref<16xf32, #tpu.memory_space<vmem>>[vector<16xi32>], vector<16xf32>,
      %scan3A_105 = arith.constant 0 : i32
      %scan3A_106 = arith.constant 0 : i32
      %scan3A_107 = arith.constant 128 : i32
      %scan3A_108 = arith.addi %scan3A_106, %scan3A_107 : i32
      %scan3A_109 = arith.constant 1 : i32
      %scan3A_110 = scf.for %scan3A_143 = %scan3A_106 to %scan3A_108 step %scan3A_109 iter_args(%scan3A_144 = %scan3A_105) -> (i32)  : i32 {
        %mul3A_145 = arith.constant 16 : i32
        %mul3A_146 = arith.muli %scan3A_143, %mul3A_145 : i32
        %get3A = arith.constant 10 : i32
        %get3A_147 = arith.index_cast %get3A : i32 to index
        %get3A_148 = arith.index_cast %mul3A_146 : i32 to index
        %get3A_149 = tpu.vector_load %arg8[%get3A_147, %get3A_148] {strides = array<i32>} : memref<16x2048xf32, #tpu.memory_space<vmem>>, vector<16xf32>,
        %mul3A_150 = arith.mulf %gather3A_104, %get3A_149 : vector<16xf32>
        %get3A_151 = arith.constant 11 : i32
        %get3A_152 = arith.index_cast %get3A_151 : i32 to index
        %get3A_153 = arith.index_cast %mul3A_146 : i32 to index
        %get3A_154 = tpu.vector_load %arg8[%get3A_152, %get3A_153] {strides = array<i32>} : memref<16x2048xf32, #tpu.memory_space<vmem>>, vector<16xf32>,
        %mul3A_155 = arith.mulf %gather3A_100, %get3A_154 : vector<16xf32>
        %add3A_156 = arith.addf %mul3A_150, %mul3A_155 : vector<16xf32>
        %swap3A = arith.constant 5 : i32
        %swap3A_157 = arith.index_cast %swap3A : i32 to index
        %swap3A_158 = arith.index_cast %mul3A_146 : i32 to index
        %swap3A_159 = tpu.vector_load %arg9[%swap3A_157, %swap3A_158] {strides = array<i32>} : memref<8x2048xf32, #tpu.memory_space<vmem>>, vector<16xf32>,
        tpu.vector_store %arg9[%swap3A_157, %swap3A_158], %add3A_156 {strides = array<i32>} : memref<8x2048xf32, #tpu.memory_space<vmem>>, vector<16xf32>,
        %scan3A_160 = arith.constant 0 : i32
        scf.yield %scan3A_160 : i32
      }
      %scan3A_111 = arith.constant 128 : i32
      %add3A_112 = arith.constant 13 : i32
      %add3A_113 = vector.broadcast %add3A_112 : i32 to vector<16xi32>
      %add3A_114 = arith.addi %mul3A_5, %add3A_113 : vector<16xi32>
      %gather3A_115 = tpu.vector_load_idx %arg7[%add3A_114] : memref<16xf32, #tpu.memory_space<vmem>>[vector<16xi32>], vector<16xf32>,
      %add3A_116 = arith.constant 12 : i32
      %add3A_117 = vector.broadcast %add3A_116 : i32 to vector<16xi32>
      %add3A_118 = arith.addi %mul3A_5, %add3A_117 : vector<16xi32>
      %gather3A_119 = tpu.vector_load_idx %arg7[%add3A_118] : memref<16xf32, #tpu.memory_space<vmem>>[vector<16xi32>], vector<16xf32>,
      %scan3A_120 = arith.constant 0 : i32
      %scan3A_121 = arith.constant 0 : i32
      %scan3A_122 = arith.constant 128 : i32
      %scan3A_123 = arith.addi %scan3A_121, %scan3A_122 : i32
      %scan3A_124 = arith.constant 1 : i32
      %scan3A_125 = scf.for %scan3A_143 = %scan3A_121 to %scan3A_123 step %scan3A_124 iter_args(%scan3A_144 = %scan3A_120) -> (i32)  : i32 {
        %mul3A_145 = arith.constant 16 : i32
        %mul3A_146 = arith.muli %scan3A_143, %mul3A_145 : i32
        %get3A = arith.constant 12 : i32
        %get3A_147 = arith.index_cast %get3A : i32 to index
        %get3A_148 = arith.index_cast %mul3A_146 : i32 to index
        %get3A_149 = tpu.vector_load %arg8[%get3A_147, %get3A_148] {strides = array<i32>} : memref<16x2048xf32, #tpu.memory_space<vmem>>, vector<16xf32>,
        %mul3A_150 = arith.mulf %gather3A_119, %get3A_149 : vector<16xf32>
        %get3A_151 = arith.constant 13 : i32
        %get3A_152 = arith.index_cast %get3A_151 : i32 to index
        %get3A_153 = arith.index_cast %mul3A_146 : i32 to index
        %get3A_154 = tpu.vector_load %arg8[%get3A_152, %get3A_153] {strides = array<i32>} : memref<16x2048xf32, #tpu.memory_space<vmem>>, vector<16xf32>,
        %mul3A_155 = arith.mulf %gather3A_115, %get3A_154 : vector<16xf32>
        %add3A_156 = arith.addf %mul3A_150, %mul3A_155 : vector<16xf32>
        %swap3A = arith.constant 6 : i32
        %swap3A_157 = arith.index_cast %swap3A : i32 to index
        %swap3A_158 = arith.index_cast %mul3A_146 : i32 to index
        %swap3A_159 = tpu.vector_load %arg9[%swap3A_157, %swap3A_158] {strides = array<i32>} : memref<8x2048xf32, #tpu.memory_space<vmem>>, vector<16xf32>,
        tpu.vector_store %arg9[%swap3A_157, %swap3A_158], %add3A_156 {strides = array<i32>} : memref<8x2048xf32, #tpu.memory_space<vmem>>, vector<16xf32>,
        %scan3A_160 = arith.constant 0 : i32
        scf.yield %scan3A_160 : i32
      }
      %scan3A_126 = arith.constant 128 : i32
      %add3A_127 = arith.constant 15 : i32
      %add3A_128 = vector.broadcast %add3A_127 : i32 to vector<16xi32>
      %add3A_129 = arith.addi %mul3A_5, %add3A_128 : vector<16xi32>
      %gather3A_130 = tpu.vector_load_idx %arg7[%add3A_129] : memref<16xf32, #tpu.memory_space<vmem>>[vector<16xi32>], vector<16xf32>,
      %add3A_131 = arith.constant 14 : i32
      %add3A_132 = vector.broadcast %add3A_131 : i32 to vector<16xi32>
      %add3A_133 = arith.addi %mul3A_5, %add3A_132 : vector<16xi32>
      %gather3A_134 = tpu.vector_load_idx %arg7[%add3A_133] : memref<16xf32, #tpu.memory_space<vmem>>[vector<16xi32>], vector<16xf32>,
      %scan3A_135 = arith.constant 0 : i32
      %scan3A_136 = arith.constant 0 : i32
      %scan3A_137 = arith.constant 128 : i32
      %scan3A_138 = arith.addi %scan3A_136, %scan3A_137 : i32
      %scan3A_139 = arith.constant 1 : i32
      %scan3A_140 = scf.for %scan3A_143 = %scan3A_136 to %scan3A_138 step %scan3A_139 iter_args(%scan3A_144 = %scan3A_135) -> (i32)  : i32 {
        %mul3A_145 = arith.constant 16 : i32
        %mul3A_146 = arith.muli %scan3A_143, %mul3A_145 : i32
        %get3A = arith.constant 14 : i32
        %get3A_147 = arith.index_cast %get3A : i32 to index
        %get3A_148 = arith.index_cast %mul3A_146 : i32 to index
        %get3A_149 = tpu.vector_load %arg8[%get3A_147, %get3A_148] {strides = array<i32>} : memref<16x2048xf32, #tpu.memory_space<vmem>>, vector<16xf32>,
        %mul3A_150 = arith.mulf %gather3A_134, %get3A_149 : vector<16xf32>
        %get3A_151 = arith.constant 15 : i32
        %get3A_152 = arith.index_cast %get3A_151 : i32 to index
        %get3A_153 = arith.index_cast %mul3A_146 : i32 to index
        %get3A_154 = tpu.vector_load %arg8[%get3A_152, %get3A_153] {strides = array<i32>} : memref<16x2048xf32, #tpu.memory_space<vmem>>, vector<16xf32>,
        %mul3A_155 = arith.mulf %gather3A_130, %get3A_154 : vector<16xf32>
        %add3A_156 = arith.addf %mul3A_150, %mul3A_155 : vector<16xf32>
        %swap3A = arith.constant 7 : i32
        %swap3A_157 = arith.index_cast %swap3A : i32 to index
        %swap3A_158 = arith.index_cast %mul3A_146 : i32 to index
        %swap3A_159 = tpu.vector_load %arg9[%swap3A_157, %swap3A_158] {strides = array<i32>} : memref<8x2048xf32, #tpu.memory_space<vmem>>, vector<16xf32>,
        tpu.vector_store %arg9[%swap3A_157, %swap3A_158], %add3A_156 {strides = array<i32>} : memref<8x2048xf32, #tpu.memory_space<vmem>>, vector<16xf32>,
        %scan3A_160 = arith.constant 0 : i32
        scf.yield %scan3A_160 : i32
      }
      %scan3A_141 = arith.constant 128 : i32
      "tpu.region"() ({
        %run_scoped3A = tpu.sem_alloc : memref<!tpu.dma_semaphore, #tpu.memory_space<semaphore_mem>>
        %dma_start3A_143 = arith.constant 0 : i32
        %dma_start3A_144 = tpu.memref_slice %arg5[%add3A_16, %dma_start3A_143] : memref<2048x2048xf32, #tpu.memory_space<hbm>> -> memref<8x2048xf32, #tpu.memory_space<hbm>>
        %dma_start3A_145 = arith.constant 0 : i32
        %dma_start3A_146 = tpu.memref_slice %arg5[%add3A_16, %dma_start3A_145] : memref<2048x2048xf32, #tpu.memory_space<hbm>> -> memref<8x2048xf32, #tpu.memory_space<hbm>>
        tpu.enqueue_dma source(%arg9 : memref<8x2048xf32, #tpu.memory_space<vmem>>) target(%dma_start3A_146 : memref<8x2048xf32, #tpu.memory_space<hbm>>) target_semaphore(%run_scoped3A : memref<!tpu.dma_semaphore, #tpu.memory_space<semaphore_mem>>)
        %dma_wait3A_147 = arith.constant 0 : i32
        %dma_wait3A_148 = tpu.memref_slice %arg5[%add3A_16, %dma_wait3A_147] : memref<2048x2048xf32, #tpu.memory_space<hbm>> -> memref<8x2048xf32, #tpu.memory_space<hbm>>
        %dma_wait3A_149 = arith.constant 0 : i32
        %dma_wait3A_150 = tpu.memref_slice %arg5[%add3A_16, %dma_wait3A_149] : memref<2048x2048xf32, #tpu.memory_space<hbm>> -> memref<8x2048xf32, #tpu.memory_space<hbm>>
        tpu.wait_dma2 semaphore(%run_scoped3A : memref<!tpu.dma_semaphore, #tpu.memory_space<semaphore_mem>>) src(%arg9 : memref<8x2048xf32, #tpu.memory_space<vmem>>) dst(%dma_wait3A_150 : memref<8x2048xf32, #tpu.memory_space<hbm>>)
        tpu.yield
      }) : () -> ()
      %scan3A_142 = arith.constant 0 : i32
      scf.yield %scan3A_142 : i32
    }
    %scan3A_11 = arith.constant 8 : i32
    return
  }
}

module attributes {stable_mosaic.version = 14 : i64} {
  func.func @_routing_body(%arg0: i32, %arg1: memref<256x2048xf32, #tpu.memory_space<vmem>>, %arg2: memref<16x2048xf32, #tpu.memory_space<vmem>>, %arg3: memref<1x16xf32, #tpu.memory_space<vmem>>, %arg4: memref<256x2xi32, #tpu.memory_space<vmem>>, %arg5: memref<256x2xi32, #tpu.memory_space<vmem>>, %arg6: memref<256x2xf32, #tpu.memory_space<vmem>>, %arg7: memref<1x16xi32, #tpu.memory_space<vmem>>, %arg8: memref<1x16xf32, #tpu.memory_space<vmem>>) attributes {dimension_semantics = [#tpu.dimension_semantics<arbitrary>], iteration_bounds = array<i64: 8>, scalar_prefetch = 0 : i64, scratch_operands = 1 : i64, tpu.core_type = #tpu.core_type<tc>, window_params = [{transform_indices = @transform_0, window_bounds = array<i64: 256, 2048>}, {pipeline_mode = #tpu.pipeline_mode<synchronous>, transform_indices = @transform_1, window_bounds = array<i64: 16, 2048>}, {pipeline_mode = #tpu.pipeline_mode<synchronous>, transform_indices = @transform_2, window_bounds = array<i64: 1, 16>}, {transform_indices = @transform_3, window_bounds = array<i64: 256, 2>}, {transform_indices = @transform_4, window_bounds = array<i64: 256, 2>}, {transform_indices = @transform_5, window_bounds = array<i64: 256, 2>}, {pipeline_mode = #tpu.pipeline_mode<synchronous>, transform_indices = @transform_6, window_bounds = array<i64: 1, 16>}]} {
    %eq3A = arith.constant 0 : i32
    %eq3A_0 = arith.cmpi eq, %arg0, %eq3A : i32
    %convert_element_type3A = arith.extui %eq3A_0 : i1 to i32
    %cond3A = arith.constant 0 : i32
    %cond3A_1 = arith.cmpi ne, %convert_element_type3A, %cond3A : i32
    scf.if %cond3A_1 {
      %broadcast_in_dim3A_257 = arith.constant 0.000000e+00 : f32
      %broadcast_in_dim3A_258 = vector.broadcast %broadcast_in_dim3A_257 : f32 to vector<1x16xf32>
      %swap3A_259 = arith.constant 0 : index
      %swap3A_260 = arith.constant 0 : index
      %swap3A_261 = vector.load %arg8[%swap3A_259, %swap3A_260] : memref<1x16xf32, #tpu.memory_space<vmem>>, vector<1x16xf32>
      tpu.vector_store %arg8[%swap3A_259, %swap3A_260], %broadcast_in_dim3A_258 {strides = array<i32>} : memref<1x16xf32, #tpu.memory_space<vmem>>, vector<1x16xf32>,
    } else {
    }
    %get3A = arith.constant 0 : index
    %get3A_2 = arith.constant 0 : index
    %get3A_3 = vector.load %arg1[%get3A, %get3A_2] : memref<256x2048xf32, #tpu.memory_space<vmem>>, vector<256x2048xf32>
    %get3A_4 = arith.constant 0 : index
    %get3A_5 = arith.constant 0 : index
    %get3A_6 = vector.load %arg2[%get3A_4, %get3A_5] : memref<16x2048xf32, #tpu.memory_space<vmem>>, vector<16x2048xf32>
    %dot_general3A = arith.constant dense<0.000000e+00> : vector<256x16xf32>
    %dot_general3A_7 = tpu.matmul %get3A_3, %get3A_6, %dot_general3A {dimension_numbers = #tpu.dot_dimension_numbers<[1], [1], [0], [0], [0, 0, 1, 0], [], []>, transpose_lhs_hint = false} : vector<256x2048xf32>, vector<16x2048xf32>, vector<256x16xf32> -> vector<256x16xf32>
    %logistic3A = arith.negf %dot_general3A_7 : vector<256x16xf32>
    %logistic3A_8 = math.exp %logistic3A : vector<256x16xf32>
    %logistic3A_9 = arith.constant 1.000000e+00 : f32
    %logistic3A_10 = vector.broadcast %logistic3A_9 : f32 to vector<256x16xf32>
    %logistic3A_11 = arith.addf %logistic3A_10, %logistic3A_8 : vector<256x16xf32>
    %logistic3A_12 = arith.divf %logistic3A_10, %logistic3A_11 : vector<256x16xf32>
    %get3A_13 = arith.constant 0 : index
    %get3A_14 = arith.constant 0 : index
    %get3A_15 = vector.load %arg3[%get3A_13, %get3A_14] : memref<1x16xf32, #tpu.memory_space<vmem>>, vector<1x16xf32>
    %add3A = vector.broadcast %get3A_15 : vector<1x16xf32> to vector<256x16xf32>
    %add3A_16 = arith.addf %logistic3A_12, %add3A : vector<256x16xf32>
    %iota3A = tpu.iota {dimensions = array<i32: 0>} : vector<16x8xi32>
    %iota3A_17 = tpu.iota {dimensions = array<i32: 1>} : vector<16x8xi32>
    %jit3A = arith.constant 2 : i32
    %div3A = vector.broadcast %jit3A : i32 to vector<16x8xi32>
    %div3A_18 = arith.divsi %iota3A, %div3A : vector<16x8xi32>
    %sign3A = arith.constant 0 : i32
    %sign3A_19 = vector.broadcast %sign3A : i32 to vector<16x8xi32>
    %sign3A_20 = arith.cmpi sgt, %iota3A, %sign3A_19 : vector<16x8xi32>
    %sign3A_21 = arith.extui %sign3A_20 : vector<16x8xi1> to vector<16x8xi32>
    %sign3A_22 = arith.constant 0 : i32
    %sign3A_23 = vector.broadcast %sign3A_22 : i32 to vector<16x8xi32>
    %sign3A_24 = arith.cmpi slt, %iota3A, %sign3A_23 : vector<16x8xi32>
    %sign3A_25 = arith.extui %sign3A_24 : vector<16x8xi1> to vector<16x8xi32>
    %sign3A_26 = arith.subi %sign3A_21, %sign3A_25 : vector<16x8xi32>
    %sign3A_27 = arith.constant 0 : i32
    %sign3A_28 = arith.cmpi sgt, %jit3A, %sign3A_27 : i32
    %sign3A_29 = arith.extui %sign3A_28 : i1 to i32
    %sign3A_30 = arith.constant 0 : i32
    %sign3A_31 = arith.cmpi slt, %jit3A, %sign3A_30 : i32
    %sign3A_32 = arith.extui %sign3A_31 : i1 to i32
    %sign3A_33 = arith.subi %sign3A_29, %sign3A_32 : i32
    %ne3A = vector.broadcast %sign3A_33 : i32 to vector<16x8xi32>
    %ne3A_34 = arith.cmpi ne, %sign3A_26, %ne3A : vector<16x8xi32>
    %rem3A = vector.broadcast %jit3A : i32 to vector<16x8xi32>
    %rem3A_35 = arith.remsi %iota3A, %rem3A : vector<16x8xi32>
    %ne3A_36 = arith.constant 0 : i32
    %ne3A_37 = vector.broadcast %ne3A_36 : i32 to vector<16x8xi32>
    %ne3A_38 = arith.cmpi ne, %rem3A_35, %ne3A_37 : vector<16x8xi32>
    %and3A = arith.andi %ne3A_34, %ne3A_38 : vector<16x8xi1>
    %sub3A = arith.constant 1 : i32
    %sub3A_39 = vector.broadcast %sub3A : i32 to vector<16x8xi32>
    %sub3A_40 = arith.subi %div3A_18, %sub3A_39 : vector<16x8xi32>
    %select_n3A = arith.select %and3A, %sub3A_40, %div3A_18 : vector<16x8xi1>, vector<16x8xi32>
    %eq3A_41 = arith.cmpi eq, %select_n3A, %iota3A_17 : vector<16x8xi32>
    %convert_element_type3A_42 = arith.extui %eq3A_41 : vector<16x8xi1> to vector<16x8xi32>
    %convert_element_type3A_43 = arith.sitofp %convert_element_type3A_42 : vector<16x8xi32> to vector<16x8xf32>
    %dot_general3A_44 = arith.constant dense<0.000000e+00> : vector<256x8xf32>
    %dot_general3A_45 = tpu.matmul %add3A_16, %convert_element_type3A_43, %dot_general3A_44 {dimension_numbers = #tpu.dot_dimension_numbers<[1], [0], [0], [1], [0, 0, 1, 1], [], []>, precision = #tpu.contract_precision<fp32>, transpose_lhs_hint = false} : vector<256x16xf32>, vector<16x8xf32>, vector<256x8xf32> -> vector<256x8xf32>
    %iota3A_46 = tpu.iota {dimensions = array<i32: 1>} : vector<256x8xi32>
    %broadcast_in_dim3A = arith.constant 0.000000e+00 : f32
    %broadcast_in_dim3A_47 = vector.broadcast %broadcast_in_dim3A : f32 to vector<256x8xf32>
    %reduce_max3A = arith.constant dense<0xFF800000> : vector<256xf32>
    %reduce_max3A_48 = vector.multi_reduction <maximumf>, %dot_general3A_45, %reduce_max3A [1] : vector<256x8xf32> to vector<256xf32>
    %broadcast_in_dim3A_49 = vector.shape_cast %reduce_max3A_48 : vector<256xf32> to vector<256x1xf32>
    %eq3A_50 = vector.broadcast %broadcast_in_dim3A_49 : vector<256x1xf32> to vector<256x8xf32>
    %eq3A_51 = arith.cmpf oeq, %dot_general3A_45, %eq3A_50 : vector<256x8xf32>
    %jit3A_52 = arith.constant 8 : i32
    %broadcast_in_dim3A_53 = vector.broadcast %jit3A_52 : i32 to vector<256x8xi32>
    %select_n3A_54 = arith.select %eq3A_51, %iota3A_46, %broadcast_in_dim3A_53 : vector<256x8xi1>, vector<256x8xi32>
    %reduce_min3A = arith.constant dense<2147483647> : vector<256xi32>
    %reduce_min3A_55 = vector.multi_reduction <minsi>, %select_n3A_54, %reduce_min3A [1] : vector<256x8xi32> to vector<256xi32>
    %broadcast_in_dim3A_56 = vector.shape_cast %reduce_min3A_55 : vector<256xi32> to vector<256x1xi32>
    %eq3A_57 = vector.broadcast %broadcast_in_dim3A_56 : vector<256x1xi32> to vector<256x8xi32>
    %eq3A_58 = arith.cmpi eq, %iota3A_46, %eq3A_57 : vector<256x8xi32>
    %jit3A_59 = arith.constant 1.000000e+00 : f32
    %broadcast_in_dim3A_60 = vector.broadcast %jit3A_59 : f32 to vector<256x8xf32>
    %select_n3A_61 = arith.select %eq3A_58, %broadcast_in_dim3A_60, %broadcast_in_dim3A_47 : vector<256x8xi1>, vector<256x8xf32>
    %jit3A_62 = arith.constant 0xFF800000 : f32
    %broadcast_in_dim3A_63 = vector.broadcast %jit3A_62 : f32 to vector<256x8xf32>
    %select_n3A_64 = arith.select %eq3A_58, %broadcast_in_dim3A_63, %dot_general3A_45 : vector<256x8xi1>, vector<256x8xf32>
    %reduce_max3A_65 = arith.constant dense<0xFF800000> : vector<256xf32>
    %reduce_max3A_66 = vector.multi_reduction <maximumf>, %select_n3A_64, %reduce_max3A_65 [1] : vector<256x8xf32> to vector<256xf32>
    %broadcast_in_dim3A_67 = vector.shape_cast %reduce_max3A_66 : vector<256xf32> to vector<256x1xf32>
    %eq3A_68 = vector.broadcast %broadcast_in_dim3A_67 : vector<256x1xf32> to vector<256x8xf32>
    %eq3A_69 = arith.cmpf oeq, %select_n3A_64, %eq3A_68 : vector<256x8xf32>
    %jit3A_70 = arith.constant 8 : i32
    %broadcast_in_dim3A_71 = vector.broadcast %jit3A_70 : i32 to vector<256x8xi32>
    %select_n3A_72 = arith.select %eq3A_69, %iota3A_46, %broadcast_in_dim3A_71 : vector<256x8xi1>, vector<256x8xi32>
    %reduce_min3A_73 = arith.constant dense<2147483647> : vector<256xi32>
    %reduce_min3A_74 = vector.multi_reduction <minsi>, %select_n3A_72, %reduce_min3A_73 [1] : vector<256x8xi32> to vector<256xi32>
    %broadcast_in_dim3A_75 = vector.shape_cast %reduce_min3A_74 : vector<256xi32> to vector<256x1xi32>
    %eq3A_76 = vector.broadcast %broadcast_in_dim3A_75 : vector<256x1xi32> to vector<256x8xi32>
    %eq3A_77 = arith.cmpi eq, %iota3A_46, %eq3A_76 : vector<256x8xi32>
    %jit3A_78 = arith.constant 1.000000e+00 : f32
    %broadcast_in_dim3A_79 = vector.broadcast %jit3A_78 : f32 to vector<256x8xf32>
    %select_n3A_80 = arith.select %eq3A_77, %broadcast_in_dim3A_79, %select_n3A_61 : vector<256x8xi1>, vector<256x8xf32>
    %jit3A_81 = arith.constant 0xFF800000 : f32
    %broadcast_in_dim3A_82 = vector.broadcast %jit3A_81 : f32 to vector<256x8xf32>
    %select_n3A_83 = arith.select %eq3A_77, %broadcast_in_dim3A_82, %select_n3A_64 : vector<256x8xi1>, vector<256x8xf32>
    %reduce_max3A_84 = arith.constant dense<0xFF800000> : vector<256xf32>
    %reduce_max3A_85 = vector.multi_reduction <maximumf>, %select_n3A_83, %reduce_max3A_84 [1] : vector<256x8xf32> to vector<256xf32>
    %broadcast_in_dim3A_86 = vector.shape_cast %reduce_max3A_85 : vector<256xf32> to vector<256x1xf32>
    %eq3A_87 = vector.broadcast %broadcast_in_dim3A_86 : vector<256x1xf32> to vector<256x8xf32>
    %eq3A_88 = arith.cmpf oeq, %select_n3A_83, %eq3A_87 : vector<256x8xf32>
    %jit3A_89 = arith.constant 8 : i32
    %broadcast_in_dim3A_90 = vector.broadcast %jit3A_89 : i32 to vector<256x8xi32>
    %select_n3A_91 = arith.select %eq3A_88, %iota3A_46, %broadcast_in_dim3A_90 : vector<256x8xi1>, vector<256x8xi32>
    %reduce_min3A_92 = arith.constant dense<2147483647> : vector<256xi32>
    %reduce_min3A_93 = vector.multi_reduction <minsi>, %select_n3A_91, %reduce_min3A_92 [1] : vector<256x8xi32> to vector<256xi32>
    %broadcast_in_dim3A_94 = vector.shape_cast %reduce_min3A_93 : vector<256xi32> to vector<256x1xi32>
    %eq3A_95 = vector.broadcast %broadcast_in_dim3A_94 : vector<256x1xi32> to vector<256x8xi32>
    %eq3A_96 = arith.cmpi eq, %iota3A_46, %eq3A_95 : vector<256x8xi32>
    %jit3A_97 = arith.constant 1.000000e+00 : f32
    %broadcast_in_dim3A_98 = vector.broadcast %jit3A_97 : f32 to vector<256x8xf32>
    %select_n3A_99 = arith.select %eq3A_96, %broadcast_in_dim3A_98, %select_n3A_80 : vector<256x8xi1>, vector<256x8xf32>
    %jit3A_100 = arith.constant 0xFF800000 : f32
    %broadcast_in_dim3A_101 = vector.broadcast %jit3A_100 : f32 to vector<256x8xf32>
    %select_n3A_102 = arith.select %eq3A_96, %broadcast_in_dim3A_101, %select_n3A_83 : vector<256x8xi1>, vector<256x8xf32>
    %reduce_max3A_103 = arith.constant dense<0xFF800000> : vector<256xf32>
    %reduce_max3A_104 = vector.multi_reduction <maximumf>, %select_n3A_102, %reduce_max3A_103 [1] : vector<256x8xf32> to vector<256xf32>
    %broadcast_in_dim3A_105 = vector.shape_cast %reduce_max3A_104 : vector<256xf32> to vector<256x1xf32>
    %eq3A_106 = vector.broadcast %broadcast_in_dim3A_105 : vector<256x1xf32> to vector<256x8xf32>
    %eq3A_107 = arith.cmpf oeq, %select_n3A_102, %eq3A_106 : vector<256x8xf32>
    %jit3A_108 = arith.constant 8 : i32
    %broadcast_in_dim3A_109 = vector.broadcast %jit3A_108 : i32 to vector<256x8xi32>
    %select_n3A_110 = arith.select %eq3A_107, %iota3A_46, %broadcast_in_dim3A_109 : vector<256x8xi1>, vector<256x8xi32>
    %reduce_min3A_111 = arith.constant dense<2147483647> : vector<256xi32>
    %reduce_min3A_112 = vector.multi_reduction <minsi>, %select_n3A_110, %reduce_min3A_111 [1] : vector<256x8xi32> to vector<256xi32>
    %broadcast_in_dim3A_113 = vector.shape_cast %reduce_min3A_112 : vector<256xi32> to vector<256x1xi32>
    %eq3A_114 = vector.broadcast %broadcast_in_dim3A_113 : vector<256x1xi32> to vector<256x8xi32>
    %eq3A_115 = arith.cmpi eq, %iota3A_46, %eq3A_114 : vector<256x8xi32>
    %jit3A_116 = arith.constant 1.000000e+00 : f32
    %broadcast_in_dim3A_117 = vector.broadcast %jit3A_116 : f32 to vector<256x8xf32>
    %select_n3A_118 = arith.select %eq3A_115, %broadcast_in_dim3A_117, %select_n3A_99 : vector<256x8xi1>, vector<256x8xf32>
    %dot_general3A_119 = arith.constant dense<0.000000e+00> : vector<256x16xf32>
    %dot_general3A_120 = tpu.matmul %select_n3A_118, %convert_element_type3A_43, %dot_general3A_119 {dimension_numbers = #tpu.dot_dimension_numbers<[1], [1], [0], [0], [0, 0, 1, 0], [], []>, transpose_lhs_hint = false} : vector<256x8xf32>, vector<16x8xf32>, vector<256x16xf32> -> vector<256x16xf32>
    %gt3A = arith.constant 0.000000e+00 : f32
    %gt3A_121 = vector.broadcast %gt3A : f32 to vector<256x16xf32>
    %gt3A_122 = arith.cmpf ogt, %dot_general3A_120, %gt3A_121 : vector<256x16xf32>
    %jit3A_123 = arith.constant 0xFF800000 : f32
    %broadcast_in_dim3A_124 = vector.broadcast %jit3A_123 : f32 to vector<256x16xf32>
    %select_n3A_125 = arith.select %gt3A_122, %add3A_16, %broadcast_in_dim3A_124 : vector<256x16xi1>, vector<256x16xf32>
    %iota3A_126 = tpu.iota {dimensions = array<i32: 1>} : vector<256x16xi32>
    %reduce_max3A_127 = arith.constant dense<0xFF800000> : vector<256xf32>
    %reduce_max3A_128 = vector.multi_reduction <maximumf>, %select_n3A_125, %reduce_max3A_127 [1] : vector<256x16xf32> to vector<256xf32>
    %broadcast_in_dim3A_129 = vector.shape_cast %reduce_max3A_128 : vector<256xf32> to vector<256x1xf32>
    %eq3A_130 = vector.broadcast %broadcast_in_dim3A_129 : vector<256x1xf32> to vector<256x16xf32>
    %eq3A_131 = arith.cmpf oeq, %select_n3A_125, %eq3A_130 : vector<256x16xf32>
    %jit3A_132 = arith.constant 16 : i32
    %broadcast_in_dim3A_133 = vector.broadcast %jit3A_132 : i32 to vector<256x16xi32>
    %select_n3A_134 = arith.select %eq3A_131, %iota3A_126, %broadcast_in_dim3A_133 : vector<256x16xi1>, vector<256x16xi32>
    %reduce_min3A_135 = arith.constant dense<2147483647> : vector<256xi32>
    %reduce_min3A_136 = vector.multi_reduction <minsi>, %select_n3A_134, %reduce_min3A_135 [1] : vector<256x16xi32> to vector<256xi32>
    %broadcast_in_dim3A_137 = vector.shape_cast %reduce_min3A_136 : vector<256xi32> to vector<256x1xi32>
    %eq3A_138 = vector.broadcast %broadcast_in_dim3A_137 : vector<256x1xi32> to vector<256x16xi32>
    %eq3A_139 = arith.cmpi eq, %iota3A_126, %eq3A_138 : vector<256x16xi32>
    %jit3A_140 = arith.constant 0.000000e+00 : f32
    %broadcast_in_dim3A_141 = vector.broadcast %jit3A_140 : f32 to vector<256x16xf32>
    %select_n3A_142 = arith.select %eq3A_139, %logistic3A_12, %broadcast_in_dim3A_141 : vector<256x16xi1>, vector<256x16xf32>
    %reduce_sum3A = arith.constant dense<0.000000e+00> : vector<256xf32>
    %reduce_sum3A_143 = vector.multi_reduction <add>, %select_n3A_142, %reduce_sum3A [1] : vector<256x16xf32> to vector<256xf32>
    %broadcast_in_dim3A_144 = vector.shape_cast %reduce_sum3A_143 : vector<256xf32> to vector<256x1xf32>
    %jit3A_145 = arith.constant 0xFF800000 : f32
    %broadcast_in_dim3A_146 = vector.broadcast %jit3A_145 : f32 to vector<256x16xf32>
    %select_n3A_147 = arith.select %eq3A_139, %broadcast_in_dim3A_146, %select_n3A_125 : vector<256x16xi1>, vector<256x16xf32>
    %reduce_max3A_148 = arith.constant dense<0xFF800000> : vector<256xf32>
    %reduce_max3A_149 = vector.multi_reduction <maximumf>, %select_n3A_147, %reduce_max3A_148 [1] : vector<256x16xf32> to vector<256xf32>
    %broadcast_in_dim3A_150 = vector.shape_cast %reduce_max3A_149 : vector<256xf32> to vector<256x1xf32>
    %eq3A_151 = vector.broadcast %broadcast_in_dim3A_150 : vector<256x1xf32> to vector<256x16xf32>
    %eq3A_152 = arith.cmpf oeq, %select_n3A_147, %eq3A_151 : vector<256x16xf32>
    %jit3A_153 = arith.constant 16 : i32
    %broadcast_in_dim3A_154 = vector.broadcast %jit3A_153 : i32 to vector<256x16xi32>
    %select_n3A_155 = arith.select %eq3A_152, %iota3A_126, %broadcast_in_dim3A_154 : vector<256x16xi1>, vector<256x16xi32>
    %reduce_min3A_156 = arith.constant dense<2147483647> : vector<256xi32>
    %reduce_min3A_157 = vector.multi_reduction <minsi>, %select_n3A_155, %reduce_min3A_156 [1] : vector<256x16xi32> to vector<256xi32>
    %broadcast_in_dim3A_158 = vector.shape_cast %reduce_min3A_157 : vector<256xi32> to vector<256x1xi32>
    %eq3A_159 = vector.broadcast %broadcast_in_dim3A_158 : vector<256x1xi32> to vector<256x16xi32>
    %eq3A_160 = arith.cmpi eq, %iota3A_126, %eq3A_159 : vector<256x16xi32>
    %jit3A_161 = arith.constant 0.000000e+00 : f32
    %broadcast_in_dim3A_162 = vector.broadcast %jit3A_161 : f32 to vector<256x16xf32>
    %select_n3A_163 = arith.select %eq3A_160, %logistic3A_12, %broadcast_in_dim3A_162 : vector<256x16xi1>, vector<256x16xf32>
    %reduce_sum3A_164 = arith.constant dense<0.000000e+00> : vector<256xf32>
    %reduce_sum3A_165 = vector.multi_reduction <add>, %select_n3A_163, %reduce_sum3A_164 [1] : vector<256x16xf32> to vector<256xf32>
    %broadcast_in_dim3A_166 = vector.shape_cast %reduce_sum3A_165 : vector<256xf32> to vector<256x1xf32>
    %add3A_167 = arith.addf %broadcast_in_dim3A_144, %broadcast_in_dim3A_166 : vector<256x1xf32>
    %add3A_168 = arith.constant 9.99999968E-21 : f32
    %add3A_169 = vector.broadcast %add3A_168 : f32 to vector<256x1xf32>
    %add3A_170 = arith.addf %add3A_167, %add3A_169 : vector<256x1xf32>
    %div3A_171 = arith.divf %broadcast_in_dim3A_144, %add3A_170 : vector<256x1xf32>
    %div3A_172 = arith.divf %broadcast_in_dim3A_166, %add3A_170 : vector<256x1xf32>
    %convert_element_type3A_173 = arith.extui %eq3A_139 : vector<256x16xi1> to vector<256x16xi32>
    %convert_element_type3A_174 = arith.sitofp %convert_element_type3A_173 : vector<256x16xi32> to vector<256x16xf32>
    %convert_element_type3A_175 = arith.extui %eq3A_160 : vector<256x16xi1> to vector<256x16xi32>
    %convert_element_type3A_176 = arith.sitofp %convert_element_type3A_175 : vector<256x16xi32> to vector<256x16xf32>
    %add3A_177 = arith.addf %convert_element_type3A_174, %convert_element_type3A_176 : vector<256x16xf32>
    %iota3A_178 = tpu.iota {dimensions = array<i32: 0>} : vector<256x256xi32>
    %iota3A_179 = tpu.iota {dimensions = array<i32: 1>} : vector<256x256xi32>
    %lt3A = arith.cmpi slt, %iota3A_179, %iota3A_178 : vector<256x256xi32>
    %convert_element_type3A_180 = arith.extui %lt3A : vector<256x256xi1> to vector<256x256xi32>
    %convert_element_type3A_181 = arith.sitofp %convert_element_type3A_180 : vector<256x256xi32> to vector<256x256xf32>
    %dot_general3A_182 = arith.constant dense<0.000000e+00> : vector<256x16xf32>
    %dot_general3A_183 = tpu.matmul %convert_element_type3A_181, %add3A_177, %dot_general3A_182 {dimension_numbers = #tpu.dot_dimension_numbers<[1], [0], [0], [1], [0, 0, 1, 1], [], []>, transpose_lhs_hint = false} : vector<256x256xf32>, vector<256x16xf32>, vector<256x16xf32> -> vector<256x16xf32>
    %get3A_184 = arith.constant 0 : index
    %get3A_185 = arith.constant 0 : index
    %get3A_186 = vector.load %arg8[%get3A_184, %get3A_185] : memref<1x16xf32, #tpu.memory_space<vmem>>, vector<1x16xf32>
    %add3A_187 = vector.broadcast %get3A_186 : vector<1x16xf32> to vector<256x16xf32>
    %add3A_188 = arith.addf %dot_general3A_183, %add3A_187 : vector<256x16xf32>
    %get3A_189 = arith.constant 0 : index
    %get3A_190 = arith.constant 0 : index
    %get3A_191 = vector.load %arg8[%get3A_189, %get3A_190] : memref<1x16xf32, #tpu.memory_space<vmem>>, vector<1x16xf32>
    %reduce_sum3A_192 = arith.constant dense<0.000000e+00> : vector<16xf32>
    %reduce_sum3A_193 = vector.multi_reduction <add>, %add3A_177, %reduce_sum3A_192 [0] : vector<256x16xf32> to vector<16xf32>
    %broadcast_in_dim3A_194 = vector.shape_cast %reduce_sum3A_193 : vector<16xf32> to vector<1x16xf32>
    %add3A_195 = arith.addf %get3A_191, %broadcast_in_dim3A_194 : vector<1x16xf32>
    %swap3A = arith.constant 0 : index
    %swap3A_196 = arith.constant 0 : index
    %swap3A_197 = vector.load %arg8[%swap3A, %swap3A_196] : memref<1x16xf32, #tpu.memory_space<vmem>>, vector<1x16xf32>
    tpu.vector_store %arg8[%swap3A, %swap3A_196], %add3A_195 {strides = array<i32>} : memref<1x16xf32, #tpu.memory_space<vmem>>, vector<1x16xf32>,
    %jit3A_198 = arith.constant 0.000000e+00 : f32
    %broadcast_in_dim3A_199 = vector.broadcast %jit3A_198 : f32 to vector<256x16xf32>
    %select_n3A_200 = arith.select %eq3A_139, %add3A_188, %broadcast_in_dim3A_199 : vector<256x16xi1>, vector<256x16xf32>
    %reduce_sum3A_201 = arith.constant dense<0.000000e+00> : vector<256xf32>
    %reduce_sum3A_202 = vector.multi_reduction <add>, %select_n3A_200, %reduce_sum3A_201 [1] : vector<256x16xf32> to vector<256xf32>
    %broadcast_in_dim3A_203 = vector.shape_cast %reduce_sum3A_202 : vector<256xf32> to vector<256x1xf32>
    %convert_element_type3A_204 = arith.fptosi %broadcast_in_dim3A_203 : vector<256x1xf32> to vector<256x1xi32>
    %jit3A_205 = arith.constant 0.000000e+00 : f32
    %broadcast_in_dim3A_206 = vector.broadcast %jit3A_205 : f32 to vector<256x16xf32>
    %select_n3A_207 = arith.select %eq3A_160, %add3A_188, %broadcast_in_dim3A_206 : vector<256x16xi1>, vector<256x16xf32>
    %reduce_sum3A_208 = arith.constant dense<0.000000e+00> : vector<256xf32>
    %reduce_sum3A_209 = vector.multi_reduction <add>, %select_n3A_207, %reduce_sum3A_208 [1] : vector<256x16xf32> to vector<256xf32>
    %broadcast_in_dim3A_210 = vector.shape_cast %reduce_sum3A_209 : vector<256xf32> to vector<256x1xf32>
    %convert_element_type3A_211 = arith.fptosi %broadcast_in_dim3A_210 : vector<256x1xf32> to vector<256x1xi32>
    %mul3A = arith.constant 512 : i32
    %mul3A_212 = vector.broadcast %mul3A : i32 to vector<256x1xi32>
    %mul3A_213 = arith.muli %broadcast_in_dim3A_137, %mul3A_212 : vector<256x1xi32>
    %mul3A_214 = arith.constant 512 : i32
    %mul3A_215 = vector.broadcast %mul3A_214 : i32 to vector<256x1xi32>
    %mul3A_216 = arith.muli %broadcast_in_dim3A_158, %mul3A_215 : vector<256x1xi32>
    %lt3A_217 = arith.constant 512 : i32
    %lt3A_218 = vector.broadcast %lt3A_217 : i32 to vector<256x1xi32>
    %lt3A_219 = arith.cmpi slt, %convert_element_type3A_204, %lt3A_218 : vector<256x1xi32>
    %lt3A_220 = arith.constant 512 : i32
    %lt3A_221 = vector.broadcast %lt3A_220 : i32 to vector<256x1xi32>
    %lt3A_222 = arith.cmpi slt, %convert_element_type3A_211, %lt3A_221 : vector<256x1xi32>
    %add3A_223 = arith.addi %mul3A_213, %convert_element_type3A_204 : vector<256x1xi32>
    %jit3A_224 = arith.constant 8192 : i32
    %broadcast_in_dim3A_225 = vector.broadcast %jit3A_224 : i32 to vector<256x1xi32>
    %select_n3A_226 = arith.select %lt3A_219, %add3A_223, %broadcast_in_dim3A_225 : vector<256x1xi1>, vector<256x1xi32>
    %add3A_227 = arith.addi %mul3A_216, %convert_element_type3A_211 : vector<256x1xi32>
    %jit3A_228 = arith.constant 8192 : i32
    %broadcast_in_dim3A_229 = vector.broadcast %jit3A_228 : i32 to vector<256x1xi32>
    %select_n3A_230 = arith.select %lt3A_222, %add3A_227, %broadcast_in_dim3A_229 : vector<256x1xi1>, vector<256x1xi32>
    %concatenate3A = tpu.concatenate %select_n3A_226, %select_n3A_230 in 1 : vector<256x1xi32>, vector<256x1xi32> -> vector<256x2xi32>
    %swap3A_231 = arith.constant 0 : index
    %swap3A_232 = arith.constant 0 : index
    %swap3A_233 = vector.load %arg4[%swap3A_231, %swap3A_232] : memref<256x2xi32, #tpu.memory_space<vmem>>, vector<256x2xi32>
    tpu.vector_store %arg4[%swap3A_231, %swap3A_232], %concatenate3A {strides = array<i32>} : memref<256x2xi32, #tpu.memory_space<vmem>>, vector<256x2xi32>,
    %add3A_234 = arith.addi %mul3A_213, %convert_element_type3A_204 : vector<256x1xi32>
    %select_n3A_235 = arith.select %lt3A_219, %add3A_234, %mul3A_213 : vector<256x1xi1>, vector<256x1xi32>
    %add3A_236 = arith.addi %mul3A_216, %convert_element_type3A_211 : vector<256x1xi32>
    %select_n3A_237 = arith.select %lt3A_222, %add3A_236, %mul3A_216 : vector<256x1xi1>, vector<256x1xi32>
    %concatenate3A_238 = tpu.concatenate %select_n3A_235, %select_n3A_237 in 1 : vector<256x1xi32>, vector<256x1xi32> -> vector<256x2xi32>
    %swap3A_239 = arith.constant 0 : index
    %swap3A_240 = arith.constant 0 : index
    %swap3A_241 = vector.load %arg5[%swap3A_239, %swap3A_240] : memref<256x2xi32, #tpu.memory_space<vmem>>, vector<256x2xi32>
    tpu.vector_store %arg5[%swap3A_239, %swap3A_240], %concatenate3A_238 {strides = array<i32>} : memref<256x2xi32, #tpu.memory_space<vmem>>, vector<256x2xi32>,
    %jit3A_242 = arith.constant 0.000000e+00 : f32
    %broadcast_in_dim3A_243 = vector.broadcast %jit3A_242 : f32 to vector<256x1xf32>
    %select_n3A_244 = arith.select %lt3A_219, %div3A_171, %broadcast_in_dim3A_243 : vector<256x1xi1>, vector<256x1xf32>
    %jit3A_245 = arith.constant 0.000000e+00 : f32
    %broadcast_in_dim3A_246 = vector.broadcast %jit3A_245 : f32 to vector<256x1xf32>
    %select_n3A_247 = arith.select %lt3A_222, %div3A_172, %broadcast_in_dim3A_246 : vector<256x1xi1>, vector<256x1xf32>
    %concatenate3A_248 = tpu.concatenate %select_n3A_244, %select_n3A_247 in 1 : vector<256x1xf32>, vector<256x1xf32> -> vector<256x2xf32>
    %swap3A_249 = arith.constant 0 : index
    %swap3A_250 = arith.constant 0 : index
    %swap3A_251 = vector.load %arg6[%swap3A_249, %swap3A_250] : memref<256x2xf32, #tpu.memory_space<vmem>>, vector<256x2xf32>
    tpu.vector_store %arg6[%swap3A_249, %swap3A_250], %concatenate3A_248 {strides = array<i32>} : memref<256x2xf32, #tpu.memory_space<vmem>>, vector<256x2xf32>,
    %eq3A_252 = arith.constant 7 : i32
    %eq3A_253 = arith.cmpi eq, %arg0, %eq3A_252 : i32
    %convert_element_type3A_254 = arith.extui %eq3A_253 : i1 to i32
    %cond3A_255 = arith.constant 0 : i32
    %cond3A_256 = arith.cmpi ne, %convert_element_type3A_254, %cond3A_255 : i32
    scf.if %cond3A_256 {
      %get3A_257 = arith.constant 0 : index
      %get3A_258 = arith.constant 0 : index
      %get3A_259 = vector.load %arg8[%get3A_257, %get3A_258] : memref<1x16xf32, #tpu.memory_space<vmem>>, vector<1x16xf32>
      %min3A = arith.constant 5.120000e+02 : f32
      %min3A_260 = vector.broadcast %min3A : f32 to vector<1x16xf32>
      %min3A_261 = arith.minimumf %get3A_259, %min3A_260 : vector<1x16xf32>
      %convert_element_type3A_262 = arith.fptosi %min3A_261 : vector<1x16xf32> to vector<1x16xi32>
      %swap3A_263 = arith.constant 0 : index
      %swap3A_264 = arith.constant 0 : index
      %swap3A_265 = vector.load %arg7[%swap3A_263, %swap3A_264] : memref<1x16xi32, #tpu.memory_space<vmem>>, vector<1x16xi32>
      tpu.vector_store %arg7[%swap3A_263, %swap3A_264], %convert_element_type3A_262 {strides = array<i32>} : memref<1x16xi32, #tpu.memory_space<vmem>>, vector<1x16xi32>,
    } else {
    }
    return
  }
  func.func @transform_0(%arg0: i32) -> (i32, i32) {
    %c0_i32 = arith.constant 0 : i32
    %c0_i32_0 = arith.constant 0 : i32
    return %arg0, %c0_i32 : i32, i32
  }
  func.func @transform_1(%arg0: i32) -> (i32, i32) {
    %c0_i32 = arith.constant 0 : i32
    %c0_i32_0 = arith.constant 0 : i32
    %c0_i32_1 = arith.constant 0 : i32
    return %c0_i32, %c0_i32_0 : i32, i32
  }
  func.func @transform_2(%arg0: i32) -> (i32, i32) {
    %c0_i32 = arith.constant 0 : i32
    %c0_i32_0 = arith.constant 0 : i32
    %c0_i32_1 = arith.constant 0 : i32
    return %c0_i32, %c0_i32_0 : i32, i32
  }
  func.func @transform_3(%arg0: i32) -> (i32, i32) {
    %c0_i32 = arith.constant 0 : i32
    %c0_i32_0 = arith.constant 0 : i32
    return %arg0, %c0_i32 : i32, i32
  }
  func.func @transform_4(%arg0: i32) -> (i32, i32) {
    %c0_i32 = arith.constant 0 : i32
    %c0_i32_0 = arith.constant 0 : i32
    return %arg0, %c0_i32 : i32, i32
  }
  func.func @transform_5(%arg0: i32) -> (i32, i32) {
    %c0_i32 = arith.constant 0 : i32
    %c0_i32_0 = arith.constant 0 : i32
    return %arg0, %c0_i32 : i32, i32
  }
  func.func @transform_6(%arg0: i32) -> (i32, i32) {
    %c0_i32 = arith.constant 0 : i32
    %c0_i32_0 = arith.constant 0 : i32
    %c0_i32_1 = arith.constant 0 : i32
    return %c0_i32, %c0_i32_0 : i32, i32
  }
}

module attributes {stable_mosaic.version = 14 : i64} {
  func.func @_shared_body(%arg0: i32, %arg1: memref<1024x2048xf32, #tpu.memory_space<vmem>>, %arg2: memref<1x2x128x2048xf32, #tpu.memory_space<vmem>>, %arg3: memref<1x2048x1408xf32, #tpu.memory_space<vmem>>, %arg4: memref<1024x2048xf32, #tpu.memory_space<vmem>>, %arg5: memref<1024x1408xf32, #tpu.memory_space<vmem>>) attributes {dimension_semantics = [#tpu.dimension_semantics<arbitrary>], iteration_bounds = array<i64: 11>, scalar_prefetch = 0 : i64, scratch_operands = 1 : i64, tpu.core_type = #tpu.core_type<tc>, window_params = [{transform_indices = @transform_0, window_bounds = array<i64: 1024, 2048>}, {transform_indices = @transform_1, window_bounds = array<i64: 1, 2, 128, 2048>}, {pipeline_mode = #tpu.pipeline_mode<synchronous>, transform_indices = @transform_2, window_bounds = array<i64: 1, 2048, 1408>}, {pipeline_mode = #tpu.pipeline_mode<synchronous>, transform_indices = @transform_3, window_bounds = array<i64: 1024, 2048>}]} {
    %get3A = arith.constant 0 : index
    %get3A_0 = arith.constant 0 : index
    %get3A_1 = arith.constant 0 : index
    %get3A_2 = arith.constant 0 : index
    %get3A_3 = vector.load %arg2[%get3A, %get3A_0, %get3A_1, %get3A_2] : memref<1x2x128x2048xf32, #tpu.memory_space<vmem>>, vector<1x2x128x2048xf32>
    %reshape3A = vector.shape_cast %get3A_3 : vector<1x2x128x2048xf32> to vector<256x2048xf32>
    %get3A_4 = arith.constant 0 : index
    %get3A_5 = arith.constant 0 : index
    %get3A_6 = vector.load %arg1[%get3A_4, %get3A_5] : memref<1024x2048xf32, #tpu.memory_space<vmem>>, vector<128x2048xf32>
    %dot_general3A = arith.constant dense<0.000000e+00> : vector<128x256xf32>
    %dot_general3A_7 = tpu.matmul %get3A_6, %reshape3A, %dot_general3A {dimension_numbers = #tpu.dot_dimension_numbers<[1], [1], [0], [0], [0, 0, 1, 0], [], []>, transpose_lhs_hint = false} : vector<128x2048xf32>, vector<256x2048xf32>, vector<128x256xf32> -> vector<128x256xf32>
    %slice3A = vector.extract_strided_slice %dot_general3A_7 {offsets = [0, 0], sizes = [128, 128], strides = [1, 1]} : vector<128x256xf32> to vector<128x128xf32>
    %slice3A_8 = vector.extract_strided_slice %dot_general3A_7 {offsets = [0, 128], sizes = [128, 128], strides = [1, 1]} : vector<128x256xf32> to vector<128x128xf32>
    %logistic3A = arith.negf %slice3A : vector<128x128xf32>
    %logistic3A_9 = math.exp %logistic3A : vector<128x128xf32>
    %logistic3A_10 = arith.constant 1.000000e+00 : f32
    %logistic3A_11 = vector.broadcast %logistic3A_10 : f32 to vector<128x128xf32>
    %logistic3A_12 = arith.addf %logistic3A_11, %logistic3A_9 : vector<128x128xf32>
    %logistic3A_13 = arith.divf %logistic3A_11, %logistic3A_12 : vector<128x128xf32>
    %mul3A = arith.mulf %slice3A, %logistic3A_13 : vector<128x128xf32>
    %mul3A_14 = arith.mulf %mul3A, %slice3A_8 : vector<128x128xf32>
    %mul3A_15 = arith.constant 128 : i32
    %mul3A_16 = arith.muli %arg0, %mul3A_15 : i32
    %swap3A = arith.constant 0 : index
    %swap3A_17 = arith.index_cast %mul3A_16 : i32 to index
    %swap3A_18 = vector.load %arg5[%swap3A, %swap3A_17] : memref<1024x1408xf32, #tpu.memory_space<vmem>>, vector<128x128xf32>
    tpu.vector_store %arg5[%swap3A, %swap3A_17], %mul3A_14 {strides = array<i32>} : memref<1024x1408xf32, #tpu.memory_space<vmem>>, vector<128x128xf32>,
    %get3A_19 = arith.constant 128 : index
    %get3A_20 = arith.constant 0 : index
    %get3A_21 = vector.load %arg1[%get3A_19, %get3A_20] : memref<1024x2048xf32, #tpu.memory_space<vmem>>, vector<128x2048xf32>
    %dot_general3A_22 = arith.constant dense<0.000000e+00> : vector<128x256xf32>
    %dot_general3A_23 = tpu.matmul %get3A_21, %reshape3A, %dot_general3A_22 {dimension_numbers = #tpu.dot_dimension_numbers<[1], [1], [0], [0], [0, 0, 1, 0], [], []>, transpose_lhs_hint = false} : vector<128x2048xf32>, vector<256x2048xf32>, vector<128x256xf32> -> vector<128x256xf32>
    %slice3A_24 = vector.extract_strided_slice %dot_general3A_23 {offsets = [0, 0], sizes = [128, 128], strides = [1, 1]} : vector<128x256xf32> to vector<128x128xf32>
    %slice3A_25 = vector.extract_strided_slice %dot_general3A_23 {offsets = [0, 128], sizes = [128, 128], strides = [1, 1]} : vector<128x256xf32> to vector<128x128xf32>
    %logistic3A_26 = arith.negf %slice3A_24 : vector<128x128xf32>
    %logistic3A_27 = math.exp %logistic3A_26 : vector<128x128xf32>
    %logistic3A_28 = arith.constant 1.000000e+00 : f32
    %logistic3A_29 = vector.broadcast %logistic3A_28 : f32 to vector<128x128xf32>
    %logistic3A_30 = arith.addf %logistic3A_29, %logistic3A_27 : vector<128x128xf32>
    %logistic3A_31 = arith.divf %logistic3A_29, %logistic3A_30 : vector<128x128xf32>
    %mul3A_32 = arith.mulf %slice3A_24, %logistic3A_31 : vector<128x128xf32>
    %mul3A_33 = arith.mulf %mul3A_32, %slice3A_25 : vector<128x128xf32>
    %mul3A_34 = arith.constant 128 : i32
    %mul3A_35 = arith.muli %arg0, %mul3A_34 : i32
    %swap3A_36 = arith.constant 128 : index
    %swap3A_37 = arith.index_cast %mul3A_35 : i32 to index
    %swap3A_38 = vector.load %arg5[%swap3A_36, %swap3A_37] : memref<1024x1408xf32, #tpu.memory_space<vmem>>, vector<128x128xf32>
    tpu.vector_store %arg5[%swap3A_36, %swap3A_37], %mul3A_33 {strides = array<i32>} : memref<1024x1408xf32, #tpu.memory_space<vmem>>, vector<128x128xf32>,
    %get3A_39 = arith.constant 256 : index
    %get3A_40 = arith.constant 0 : index
    %get3A_41 = vector.load %arg1[%get3A_39, %get3A_40] : memref<1024x2048xf32, #tpu.memory_space<vmem>>, vector<128x2048xf32>
    %dot_general3A_42 = arith.constant dense<0.000000e+00> : vector<128x256xf32>
    %dot_general3A_43 = tpu.matmul %get3A_41, %reshape3A, %dot_general3A_42 {dimension_numbers = #tpu.dot_dimension_numbers<[1], [1], [0], [0], [0, 0, 1, 0], [], []>, transpose_lhs_hint = false} : vector<128x2048xf32>, vector<256x2048xf32>, vector<128x256xf32> -> vector<128x256xf32>
    %slice3A_44 = vector.extract_strided_slice %dot_general3A_43 {offsets = [0, 0], sizes = [128, 128], strides = [1, 1]} : vector<128x256xf32> to vector<128x128xf32>
    %slice3A_45 = vector.extract_strided_slice %dot_general3A_43 {offsets = [0, 128], sizes = [128, 128], strides = [1, 1]} : vector<128x256xf32> to vector<128x128xf32>
    %logistic3A_46 = arith.negf %slice3A_44 : vector<128x128xf32>
    %logistic3A_47 = math.exp %logistic3A_46 : vector<128x128xf32>
    %logistic3A_48 = arith.constant 1.000000e+00 : f32
    %logistic3A_49 = vector.broadcast %logistic3A_48 : f32 to vector<128x128xf32>
    %logistic3A_50 = arith.addf %logistic3A_49, %logistic3A_47 : vector<128x128xf32>
    %logistic3A_51 = arith.divf %logistic3A_49, %logistic3A_50 : vector<128x128xf32>
    %mul3A_52 = arith.mulf %slice3A_44, %logistic3A_51 : vector<128x128xf32>
    %mul3A_53 = arith.mulf %mul3A_52, %slice3A_45 : vector<128x128xf32>
    %mul3A_54 = arith.constant 128 : i32
    %mul3A_55 = arith.muli %arg0, %mul3A_54 : i32
    %swap3A_56 = arith.constant 256 : index
    %swap3A_57 = arith.index_cast %mul3A_55 : i32 to index
    %swap3A_58 = vector.load %arg5[%swap3A_56, %swap3A_57] : memref<1024x1408xf32, #tpu.memory_space<vmem>>, vector<128x128xf32>
    tpu.vector_store %arg5[%swap3A_56, %swap3A_57], %mul3A_53 {strides = array<i32>} : memref<1024x1408xf32, #tpu.memory_space<vmem>>, vector<128x128xf32>,
    %get3A_59 = arith.constant 384 : index
    %get3A_60 = arith.constant 0 : index
    %get3A_61 = vector.load %arg1[%get3A_59, %get3A_60] : memref<1024x2048xf32, #tpu.memory_space<vmem>>, vector<128x2048xf32>
    %dot_general3A_62 = arith.constant dense<0.000000e+00> : vector<128x256xf32>
    %dot_general3A_63 = tpu.matmul %get3A_61, %reshape3A, %dot_general3A_62 {dimension_numbers = #tpu.dot_dimension_numbers<[1], [1], [0], [0], [0, 0, 1, 0], [], []>, transpose_lhs_hint = false} : vector<128x2048xf32>, vector<256x2048xf32>, vector<128x256xf32> -> vector<128x256xf32>
    %slice3A_64 = vector.extract_strided_slice %dot_general3A_63 {offsets = [0, 0], sizes = [128, 128], strides = [1, 1]} : vector<128x256xf32> to vector<128x128xf32>
    %slice3A_65 = vector.extract_strided_slice %dot_general3A_63 {offsets = [0, 128], sizes = [128, 128], strides = [1, 1]} : vector<128x256xf32> to vector<128x128xf32>
    %logistic3A_66 = arith.negf %slice3A_64 : vector<128x128xf32>
    %logistic3A_67 = math.exp %logistic3A_66 : vector<128x128xf32>
    %logistic3A_68 = arith.constant 1.000000e+00 : f32
    %logistic3A_69 = vector.broadcast %logistic3A_68 : f32 to vector<128x128xf32>
    %logistic3A_70 = arith.addf %logistic3A_69, %logistic3A_67 : vector<128x128xf32>
    %logistic3A_71 = arith.divf %logistic3A_69, %logistic3A_70 : vector<128x128xf32>
    %mul3A_72 = arith.mulf %slice3A_64, %logistic3A_71 : vector<128x128xf32>
    %mul3A_73 = arith.mulf %mul3A_72, %slice3A_65 : vector<128x128xf32>
    %mul3A_74 = arith.constant 128 : i32
    %mul3A_75 = arith.muli %arg0, %mul3A_74 : i32
    %swap3A_76 = arith.constant 384 : index
    %swap3A_77 = arith.index_cast %mul3A_75 : i32 to index
    %swap3A_78 = vector.load %arg5[%swap3A_76, %swap3A_77] : memref<1024x1408xf32, #tpu.memory_space<vmem>>, vector<128x128xf32>
    tpu.vector_store %arg5[%swap3A_76, %swap3A_77], %mul3A_73 {strides = array<i32>} : memref<1024x1408xf32, #tpu.memory_space<vmem>>, vector<128x128xf32>,
    %get3A_79 = arith.constant 512 : index
    %get3A_80 = arith.constant 0 : index
    %get3A_81 = vector.load %arg1[%get3A_79, %get3A_80] : memref<1024x2048xf32, #tpu.memory_space<vmem>>, vector<128x2048xf32>
    %dot_general3A_82 = arith.constant dense<0.000000e+00> : vector<128x256xf32>
    %dot_general3A_83 = tpu.matmul %get3A_81, %reshape3A, %dot_general3A_82 {dimension_numbers = #tpu.dot_dimension_numbers<[1], [1], [0], [0], [0, 0, 1, 0], [], []>, transpose_lhs_hint = false} : vector<128x2048xf32>, vector<256x2048xf32>, vector<128x256xf32> -> vector<128x256xf32>
    %slice3A_84 = vector.extract_strided_slice %dot_general3A_83 {offsets = [0, 0], sizes = [128, 128], strides = [1, 1]} : vector<128x256xf32> to vector<128x128xf32>
    %slice3A_85 = vector.extract_strided_slice %dot_general3A_83 {offsets = [0, 128], sizes = [128, 128], strides = [1, 1]} : vector<128x256xf32> to vector<128x128xf32>
    %logistic3A_86 = arith.negf %slice3A_84 : vector<128x128xf32>
    %logistic3A_87 = math.exp %logistic3A_86 : vector<128x128xf32>
    %logistic3A_88 = arith.constant 1.000000e+00 : f32
    %logistic3A_89 = vector.broadcast %logistic3A_88 : f32 to vector<128x128xf32>
    %logistic3A_90 = arith.addf %logistic3A_89, %logistic3A_87 : vector<128x128xf32>
    %logistic3A_91 = arith.divf %logistic3A_89, %logistic3A_90 : vector<128x128xf32>
    %mul3A_92 = arith.mulf %slice3A_84, %logistic3A_91 : vector<128x128xf32>
    %mul3A_93 = arith.mulf %mul3A_92, %slice3A_85 : vector<128x128xf32>
    %mul3A_94 = arith.constant 128 : i32
    %mul3A_95 = arith.muli %arg0, %mul3A_94 : i32
    %swap3A_96 = arith.constant 512 : index
    %swap3A_97 = arith.index_cast %mul3A_95 : i32 to index
    %swap3A_98 = vector.load %arg5[%swap3A_96, %swap3A_97] : memref<1024x1408xf32, #tpu.memory_space<vmem>>, vector<128x128xf32>
    tpu.vector_store %arg5[%swap3A_96, %swap3A_97], %mul3A_93 {strides = array<i32>} : memref<1024x1408xf32, #tpu.memory_space<vmem>>, vector<128x128xf32>,
    %get3A_99 = arith.constant 640 : index
    %get3A_100 = arith.constant 0 : index
    %get3A_101 = vector.load %arg1[%get3A_99, %get3A_100] : memref<1024x2048xf32, #tpu.memory_space<vmem>>, vector<128x2048xf32>
    %dot_general3A_102 = arith.constant dense<0.000000e+00> : vector<128x256xf32>
    %dot_general3A_103 = tpu.matmul %get3A_101, %reshape3A, %dot_general3A_102 {dimension_numbers = #tpu.dot_dimension_numbers<[1], [1], [0], [0], [0, 0, 1, 0], [], []>, transpose_lhs_hint = false} : vector<128x2048xf32>, vector<256x2048xf32>, vector<128x256xf32> -> vector<128x256xf32>
    %slice3A_104 = vector.extract_strided_slice %dot_general3A_103 {offsets = [0, 0], sizes = [128, 128], strides = [1, 1]} : vector<128x256xf32> to vector<128x128xf32>
    %slice3A_105 = vector.extract_strided_slice %dot_general3A_103 {offsets = [0, 128], sizes = [128, 128], strides = [1, 1]} : vector<128x256xf32> to vector<128x128xf32>
    %logistic3A_106 = arith.negf %slice3A_104 : vector<128x128xf32>
    %logistic3A_107 = math.exp %logistic3A_106 : vector<128x128xf32>
    %logistic3A_108 = arith.constant 1.000000e+00 : f32
    %logistic3A_109 = vector.broadcast %logistic3A_108 : f32 to vector<128x128xf32>
    %logistic3A_110 = arith.addf %logistic3A_109, %logistic3A_107 : vector<128x128xf32>
    %logistic3A_111 = arith.divf %logistic3A_109, %logistic3A_110 : vector<128x128xf32>
    %mul3A_112 = arith.mulf %slice3A_104, %logistic3A_111 : vector<128x128xf32>
    %mul3A_113 = arith.mulf %mul3A_112, %slice3A_105 : vector<128x128xf32>
    %mul3A_114 = arith.constant 128 : i32
    %mul3A_115 = arith.muli %arg0, %mul3A_114 : i32
    %swap3A_116 = arith.constant 640 : index
    %swap3A_117 = arith.index_cast %mul3A_115 : i32 to index
    %swap3A_118 = vector.load %arg5[%swap3A_116, %swap3A_117] : memref<1024x1408xf32, #tpu.memory_space<vmem>>, vector<128x128xf32>
    tpu.vector_store %arg5[%swap3A_116, %swap3A_117], %mul3A_113 {strides = array<i32>} : memref<1024x1408xf32, #tpu.memory_space<vmem>>, vector<128x128xf32>,
    %get3A_119 = arith.constant 768 : index
    %get3A_120 = arith.constant 0 : index
    %get3A_121 = vector.load %arg1[%get3A_119, %get3A_120] : memref<1024x2048xf32, #tpu.memory_space<vmem>>, vector<128x2048xf32>
    %dot_general3A_122 = arith.constant dense<0.000000e+00> : vector<128x256xf32>
    %dot_general3A_123 = tpu.matmul %get3A_121, %reshape3A, %dot_general3A_122 {dimension_numbers = #tpu.dot_dimension_numbers<[1], [1], [0], [0], [0, 0, 1, 0], [], []>, transpose_lhs_hint = false} : vector<128x2048xf32>, vector<256x2048xf32>, vector<128x256xf32> -> vector<128x256xf32>
    %slice3A_124 = vector.extract_strided_slice %dot_general3A_123 {offsets = [0, 0], sizes = [128, 128], strides = [1, 1]} : vector<128x256xf32> to vector<128x128xf32>
    %slice3A_125 = vector.extract_strided_slice %dot_general3A_123 {offsets = [0, 128], sizes = [128, 128], strides = [1, 1]} : vector<128x256xf32> to vector<128x128xf32>
    %logistic3A_126 = arith.negf %slice3A_124 : vector<128x128xf32>
    %logistic3A_127 = math.exp %logistic3A_126 : vector<128x128xf32>
    %logistic3A_128 = arith.constant 1.000000e+00 : f32
    %logistic3A_129 = vector.broadcast %logistic3A_128 : f32 to vector<128x128xf32>
    %logistic3A_130 = arith.addf %logistic3A_129, %logistic3A_127 : vector<128x128xf32>
    %logistic3A_131 = arith.divf %logistic3A_129, %logistic3A_130 : vector<128x128xf32>
    %mul3A_132 = arith.mulf %slice3A_124, %logistic3A_131 : vector<128x128xf32>
    %mul3A_133 = arith.mulf %mul3A_132, %slice3A_125 : vector<128x128xf32>
    %mul3A_134 = arith.constant 128 : i32
    %mul3A_135 = arith.muli %arg0, %mul3A_134 : i32
    %swap3A_136 = arith.constant 768 : index
    %swap3A_137 = arith.index_cast %mul3A_135 : i32 to index
    %swap3A_138 = vector.load %arg5[%swap3A_136, %swap3A_137] : memref<1024x1408xf32, #tpu.memory_space<vmem>>, vector<128x128xf32>
    tpu.vector_store %arg5[%swap3A_136, %swap3A_137], %mul3A_133 {strides = array<i32>} : memref<1024x1408xf32, #tpu.memory_space<vmem>>, vector<128x128xf32>,
    %get3A_139 = arith.constant 896 : index
    %get3A_140 = arith.constant 0 : index
    %get3A_141 = vector.load %arg1[%get3A_139, %get3A_140] : memref<1024x2048xf32, #tpu.memory_space<vmem>>, vector<128x2048xf32>
    %dot_general3A_142 = arith.constant dense<0.000000e+00> : vector<128x256xf32>
    %dot_general3A_143 = tpu.matmul %get3A_141, %reshape3A, %dot_general3A_142 {dimension_numbers = #tpu.dot_dimension_numbers<[1], [1], [0], [0], [0, 0, 1, 0], [], []>, transpose_lhs_hint = false} : vector<128x2048xf32>, vector<256x2048xf32>, vector<128x256xf32> -> vector<128x256xf32>
    %slice3A_144 = vector.extract_strided_slice %dot_general3A_143 {offsets = [0, 0], sizes = [128, 128], strides = [1, 1]} : vector<128x256xf32> to vector<128x128xf32>
    %slice3A_145 = vector.extract_strided_slice %dot_general3A_143 {offsets = [0, 128], sizes = [128, 128], strides = [1, 1]} : vector<128x256xf32> to vector<128x128xf32>
    %logistic3A_146 = arith.negf %slice3A_144 : vector<128x128xf32>
    %logistic3A_147 = math.exp %logistic3A_146 : vector<128x128xf32>
    %logistic3A_148 = arith.constant 1.000000e+00 : f32
    %logistic3A_149 = vector.broadcast %logistic3A_148 : f32 to vector<128x128xf32>
    %logistic3A_150 = arith.addf %logistic3A_149, %logistic3A_147 : vector<128x128xf32>
    %logistic3A_151 = arith.divf %logistic3A_149, %logistic3A_150 : vector<128x128xf32>
    %mul3A_152 = arith.mulf %slice3A_144, %logistic3A_151 : vector<128x128xf32>
    %mul3A_153 = arith.mulf %mul3A_152, %slice3A_145 : vector<128x128xf32>
    %mul3A_154 = arith.constant 128 : i32
    %mul3A_155 = arith.muli %arg0, %mul3A_154 : i32
    %swap3A_156 = arith.constant 896 : index
    %swap3A_157 = arith.index_cast %mul3A_155 : i32 to index
    %swap3A_158 = vector.load %arg5[%swap3A_156, %swap3A_157] : memref<1024x1408xf32, #tpu.memory_space<vmem>>, vector<128x128xf32>
    tpu.vector_store %arg5[%swap3A_156, %swap3A_157], %mul3A_153 {strides = array<i32>} : memref<1024x1408xf32, #tpu.memory_space<vmem>>, vector<128x128xf32>,
    %eq3A = arith.constant 10 : i32
    %eq3A_159 = arith.cmpi eq, %arg0, %eq3A : i32
    %convert_element_type3A = arith.extui %eq3A_159 : i1 to i32
    %cond3A = arith.constant 0 : i32
    %cond3A_160 = arith.cmpi ne, %convert_element_type3A, %cond3A : i32
    scf.if %cond3A_160 {
      %get3A_161 = arith.constant 0 : index
      %get3A_162 = arith.constant 0 : index
      %get3A_163 = arith.constant 0 : index
      %get3A_164 = vector.load %arg3[%get3A_161, %get3A_162, %get3A_163] : memref<1x2048x1408xf32, #tpu.memory_space<vmem>>, vector<1x2048x1408xf32>
      %get3A_165 = vector.shape_cast %get3A_164 : vector<1x2048x1408xf32> to vector<2048x1408xf32>
      %get3A_166 = arith.constant 0 : index
      %get3A_167 = arith.constant 0 : index
      %get3A_168 = vector.load %arg5[%get3A_166, %get3A_167] : memref<1024x1408xf32, #tpu.memory_space<vmem>>, vector<128x1408xf32>
      %dot_general3A_169 = arith.constant dense<0.000000e+00> : vector<128x2048xf32>
      %dot_general3A_170 = tpu.matmul %get3A_168, %get3A_165, %dot_general3A_169 {dimension_numbers = #tpu.dot_dimension_numbers<[1], [1], [0], [0], [0, 0, 1, 0], [], []>, transpose_lhs_hint = false} : vector<128x1408xf32>, vector<2048x1408xf32>, vector<128x2048xf32> -> vector<128x2048xf32>
      %swap3A_171 = arith.constant 0 : index
      %swap3A_172 = arith.constant 0 : index
      %swap3A_173 = vector.load %arg4[%swap3A_171, %swap3A_172] : memref<1024x2048xf32, #tpu.memory_space<vmem>>, vector<128x2048xf32>
      tpu.vector_store %arg4[%swap3A_171, %swap3A_172], %dot_general3A_170 {strides = array<i32>} : memref<1024x2048xf32, #tpu.memory_space<vmem>>, vector<128x2048xf32>,
      %get3A_174 = arith.constant 128 : index
      %get3A_175 = arith.constant 0 : index
      %get3A_176 = vector.load %arg5[%get3A_174, %get3A_175] : memref<1024x1408xf32, #tpu.memory_space<vmem>>, vector<128x1408xf32>
      %dot_general3A_177 = arith.constant dense<0.000000e+00> : vector<128x2048xf32>
      %dot_general3A_178 = tpu.matmul %get3A_176, %get3A_165, %dot_general3A_177 {dimension_numbers = #tpu.dot_dimension_numbers<[1], [1], [0], [0], [0, 0, 1, 0], [], []>, transpose_lhs_hint = false} : vector<128x1408xf32>, vector<2048x1408xf32>, vector<128x2048xf32> -> vector<128x2048xf32>
      %swap3A_179 = arith.constant 128 : index
      %swap3A_180 = arith.constant 0 : index
      %swap3A_181 = vector.load %arg4[%swap3A_179, %swap3A_180] : memref<1024x2048xf32, #tpu.memory_space<vmem>>, vector<128x2048xf32>
      tpu.vector_store %arg4[%swap3A_179, %swap3A_180], %dot_general3A_178 {strides = array<i32>} : memref<1024x2048xf32, #tpu.memory_space<vmem>>, vector<128x2048xf32>,
      %get3A_182 = arith.constant 256 : index
      %get3A_183 = arith.constant 0 : index
      %get3A_184 = vector.load %arg5[%get3A_182, %get3A_183] : memref<1024x1408xf32, #tpu.memory_space<vmem>>, vector<128x1408xf32>
      %dot_general3A_185 = arith.constant dense<0.000000e+00> : vector<128x2048xf32>
      %dot_general3A_186 = tpu.matmul %get3A_184, %get3A_165, %dot_general3A_185 {dimension_numbers = #tpu.dot_dimension_numbers<[1], [1], [0], [0], [0, 0, 1, 0], [], []>, transpose_lhs_hint = false} : vector<128x1408xf32>, vector<2048x1408xf32>, vector<128x2048xf32> -> vector<128x2048xf32>
      %swap3A_187 = arith.constant 256 : index
      %swap3A_188 = arith.constant 0 : index
      %swap3A_189 = vector.load %arg4[%swap3A_187, %swap3A_188] : memref<1024x2048xf32, #tpu.memory_space<vmem>>, vector<128x2048xf32>
      tpu.vector_store %arg4[%swap3A_187, %swap3A_188], %dot_general3A_186 {strides = array<i32>} : memref<1024x2048xf32, #tpu.memory_space<vmem>>, vector<128x2048xf32>,
      %get3A_190 = arith.constant 384 : index
      %get3A_191 = arith.constant 0 : index
      %get3A_192 = vector.load %arg5[%get3A_190, %get3A_191] : memref<1024x1408xf32, #tpu.memory_space<vmem>>, vector<128x1408xf32>
      %dot_general3A_193 = arith.constant dense<0.000000e+00> : vector<128x2048xf32>
      %dot_general3A_194 = tpu.matmul %get3A_192, %get3A_165, %dot_general3A_193 {dimension_numbers = #tpu.dot_dimension_numbers<[1], [1], [0], [0], [0, 0, 1, 0], [], []>, transpose_lhs_hint = false} : vector<128x1408xf32>, vector<2048x1408xf32>, vector<128x2048xf32> -> vector<128x2048xf32>
      %swap3A_195 = arith.constant 384 : index
      %swap3A_196 = arith.constant 0 : index
      %swap3A_197 = vector.load %arg4[%swap3A_195, %swap3A_196] : memref<1024x2048xf32, #tpu.memory_space<vmem>>, vector<128x2048xf32>
      tpu.vector_store %arg4[%swap3A_195, %swap3A_196], %dot_general3A_194 {strides = array<i32>} : memref<1024x2048xf32, #tpu.memory_space<vmem>>, vector<128x2048xf32>,
      %get3A_198 = arith.constant 512 : index
      %get3A_199 = arith.constant 0 : index
      %get3A_200 = vector.load %arg5[%get3A_198, %get3A_199] : memref<1024x1408xf32, #tpu.memory_space<vmem>>, vector<128x1408xf32>
      %dot_general3A_201 = arith.constant dense<0.000000e+00> : vector<128x2048xf32>
      %dot_general3A_202 = tpu.matmul %get3A_200, %get3A_165, %dot_general3A_201 {dimension_numbers = #tpu.dot_dimension_numbers<[1], [1], [0], [0], [0, 0, 1, 0], [], []>, transpose_lhs_hint = false} : vector<128x1408xf32>, vector<2048x1408xf32>, vector<128x2048xf32> -> vector<128x2048xf32>
      %swap3A_203 = arith.constant 512 : index
      %swap3A_204 = arith.constant 0 : index
      %swap3A_205 = vector.load %arg4[%swap3A_203, %swap3A_204] : memref<1024x2048xf32, #tpu.memory_space<vmem>>, vector<128x2048xf32>
      tpu.vector_store %arg4[%swap3A_203, %swap3A_204], %dot_general3A_202 {strides = array<i32>} : memref<1024x2048xf32, #tpu.memory_space<vmem>>, vector<128x2048xf32>,
      %get3A_206 = arith.constant 640 : index
      %get3A_207 = arith.constant 0 : index
      %get3A_208 = vector.load %arg5[%get3A_206, %get3A_207] : memref<1024x1408xf32, #tpu.memory_space<vmem>>, vector<128x1408xf32>
      %dot_general3A_209 = arith.constant dense<0.000000e+00> : vector<128x2048xf32>
      %dot_general3A_210 = tpu.matmul %get3A_208, %get3A_165, %dot_general3A_209 {dimension_numbers = #tpu.dot_dimension_numbers<[1], [1], [0], [0], [0, 0, 1, 0], [], []>, transpose_lhs_hint = false} : vector<128x1408xf32>, vector<2048x1408xf32>, vector<128x2048xf32> -> vector<128x2048xf32>
      %swap3A_211 = arith.constant 640 : index
      %swap3A_212 = arith.constant 0 : index
      %swap3A_213 = vector.load %arg4[%swap3A_211, %swap3A_212] : memref<1024x2048xf32, #tpu.memory_space<vmem>>, vector<128x2048xf32>
      tpu.vector_store %arg4[%swap3A_211, %swap3A_212], %dot_general3A_210 {strides = array<i32>} : memref<1024x2048xf32, #tpu.memory_space<vmem>>, vector<128x2048xf32>,
      %get3A_214 = arith.constant 768 : index
      %get3A_215 = arith.constant 0 : index
      %get3A_216 = vector.load %arg5[%get3A_214, %get3A_215] : memref<1024x1408xf32, #tpu.memory_space<vmem>>, vector<128x1408xf32>
      %dot_general3A_217 = arith.constant dense<0.000000e+00> : vector<128x2048xf32>
      %dot_general3A_218 = tpu.matmul %get3A_216, %get3A_165, %dot_general3A_217 {dimension_numbers = #tpu.dot_dimension_numbers<[1], [1], [0], [0], [0, 0, 1, 0], [], []>, transpose_lhs_hint = false} : vector<128x1408xf32>, vector<2048x1408xf32>, vector<128x2048xf32> -> vector<128x2048xf32>
      %swap3A_219 = arith.constant 768 : index
      %swap3A_220 = arith.constant 0 : index
      %swap3A_221 = vector.load %arg4[%swap3A_219, %swap3A_220] : memref<1024x2048xf32, #tpu.memory_space<vmem>>, vector<128x2048xf32>
      tpu.vector_store %arg4[%swap3A_219, %swap3A_220], %dot_general3A_218 {strides = array<i32>} : memref<1024x2048xf32, #tpu.memory_space<vmem>>, vector<128x2048xf32>,
      %get3A_222 = arith.constant 896 : index
      %get3A_223 = arith.constant 0 : index
      %get3A_224 = vector.load %arg5[%get3A_222, %get3A_223] : memref<1024x1408xf32, #tpu.memory_space<vmem>>, vector<128x1408xf32>
      %dot_general3A_225 = arith.constant dense<0.000000e+00> : vector<128x2048xf32>
      %dot_general3A_226 = tpu.matmul %get3A_224, %get3A_165, %dot_general3A_225 {dimension_numbers = #tpu.dot_dimension_numbers<[1], [1], [0], [0], [0, 0, 1, 0], [], []>, transpose_lhs_hint = false} : vector<128x1408xf32>, vector<2048x1408xf32>, vector<128x2048xf32> -> vector<128x2048xf32>
      %swap3A_227 = arith.constant 896 : index
      %swap3A_228 = arith.constant 0 : index
      %swap3A_229 = vector.load %arg4[%swap3A_227, %swap3A_228] : memref<1024x2048xf32, #tpu.memory_space<vmem>>, vector<128x2048xf32>
      tpu.vector_store %arg4[%swap3A_227, %swap3A_228], %dot_general3A_226 {strides = array<i32>} : memref<1024x2048xf32, #tpu.memory_space<vmem>>, vector<128x2048xf32>,
    } else {
    }
    return
  }
  func.func @transform_0(%arg0: i32) -> (i32, i32) {
    %c0_i32 = arith.constant 0 : i32
    %c0_i32_0 = arith.constant 0 : i32
    %c0_i32_1 = arith.constant 0 : i32
    return %c0_i32, %c0_i32_0 : i32, i32
  }
  func.func @transform_1(%arg0: i32) -> (i32, i32, i32, i32) {
    %c0_i32 = arith.constant 0 : i32
    %c0_i32_0 = arith.constant 0 : i32
    %c0_i32_1 = arith.constant 0 : i32
    %c0_i32_2 = arith.constant 0 : i32
    return %c0_i32, %c0_i32_0, %arg0, %c0_i32_1 : i32, i32, i32, i32
  }
  func.func @transform_2(%arg0: i32) -> (i32, i32, i32) {
    %c0_i32 = arith.constant 0 : i32
    %c0_i32_0 = arith.constant 0 : i32
    %c0_i32_1 = arith.constant 0 : i32
    %c0_i32_2 = arith.constant 0 : i32
    return %c0_i32, %c0_i32_0, %c0_i32_1 : i32, i32, i32
  }
  func.func @transform_3(%arg0: i32) -> (i32, i32) {
    %c0_i32 = arith.constant 0 : i32
    %c0_i32_0 = arith.constant 0 : i32
    %c0_i32_1 = arith.constant 0 : i32
    return %c0_i32, %c0_i32_0 : i32, i32
  }
}

module attributes {stable_mosaic.version = 14 : i64} {
  func.func @_mlp_body(%arg0: i32, %arg1: i32, %arg2: memref<1x16xi32, #tpu.memory_space<smem>>, %arg3: memref<512x2048xf32, #tpu.memory_space<vmem>>, %arg4: memref<1x2x128x2048xf32, #tpu.memory_space<vmem>>, %arg5: memref<1x2048x1408xf32, #tpu.memory_space<vmem>>, %arg6: memref<8x128xf32, #tpu.memory_space<vmem>>, %arg7: memref<512x2048xf32, #tpu.memory_space<vmem>>, %arg8: memref<512x1408xf32, #tpu.memory_space<vmem>>) attributes {dimension_semantics = [#tpu.dimension_semantics<arbitrary>, #tpu.dimension_semantics<arbitrary>], iteration_bounds = array<i64: 16, 11>, scalar_prefetch = 1 : i64, scratch_operands = 1 : i64, tpu.core_type = #tpu.core_type<tc>, window_params = [{transform_indices = @transform_0, window_bounds = array<i64: 512, 2048>}, {transform_indices = @transform_1, window_bounds = array<i64: 1, 2, 128, 2048>}, {transform_indices = @transform_2, window_bounds = array<i64: 1, 2048, 1408>}, {transform_indices = @transform_3, window_bounds = array<i64: 8, 128>}, {transform_indices = @transform_4, window_bounds = array<i64: 512, 2048>}]} {
    %get3A = arith.constant 0 : index
    %get3A_0 = arith.index_cast %arg0 : i32 to index
    %get3A_1 = memref.load %arg2[%get3A, %get3A_0] : memref<1x16xi32, #tpu.memory_space<smem>>
    %get3A_2 = arith.constant 0 : index
    %get3A_3 = arith.constant 0 : index
    %get3A_4 = arith.constant 0 : index
    %get3A_5 = arith.constant 0 : index
    %get3A_6 = vector.load %arg4[%get3A_2, %get3A_3, %get3A_4, %get3A_5] : memref<1x2x128x2048xf32, #tpu.memory_space<vmem>>, vector<1x2x128x2048xf32>
    %reshape3A = vector.shape_cast %get3A_6 : vector<1x2x128x2048xf32> to vector<256x2048xf32>
    %gt3A = arith.constant 0 : i32
    %gt3A_7 = arith.cmpi sgt, %get3A_1, %gt3A : i32
    %convert_element_type3A = arith.extui %gt3A_7 : i1 to i32
    %cond3A = arith.constant 0 : i32
    %cond3A_8 = arith.cmpi ne, %convert_element_type3A, %cond3A : i32
    scf.if %cond3A_8 {
      %get3A_28 = arith.constant 0 : index
      %get3A_29 = arith.constant 0 : index
      %get3A_30 = vector.load %arg3[%get3A_28, %get3A_29] : memref<512x2048xf32, #tpu.memory_space<vmem>>, vector<128x2048xf32>
      %dot_general3A = arith.constant dense<0.000000e+00> : vector<128x256xf32>
      %dot_general3A_31 = tpu.matmul %get3A_30, %reshape3A, %dot_general3A {dimension_numbers = #tpu.dot_dimension_numbers<[1], [1], [0], [0], [0, 0, 1, 0], [], []>, transpose_lhs_hint = false} : vector<128x2048xf32>, vector<256x2048xf32>, vector<128x256xf32> -> vector<128x256xf32>
      %slice3A = vector.extract_strided_slice %dot_general3A_31 {offsets = [0, 0], sizes = [128, 128], strides = [1, 1]} : vector<128x256xf32> to vector<128x128xf32>
      %slice3A_32 = vector.extract_strided_slice %dot_general3A_31 {offsets = [0, 128], sizes = [128, 128], strides = [1, 1]} : vector<128x256xf32> to vector<128x128xf32>
      %logistic3A = arith.negf %slice3A : vector<128x128xf32>
      %logistic3A_33 = math.exp %logistic3A : vector<128x128xf32>
      %logistic3A_34 = arith.constant 1.000000e+00 : f32
      %logistic3A_35 = vector.broadcast %logistic3A_34 : f32 to vector<128x128xf32>
      %logistic3A_36 = arith.addf %logistic3A_35, %logistic3A_33 : vector<128x128xf32>
      %logistic3A_37 = arith.divf %logistic3A_35, %logistic3A_36 : vector<128x128xf32>
      %mul3A = arith.mulf %slice3A, %logistic3A_37 : vector<128x128xf32>
      %mul3A_38 = arith.mulf %mul3A, %slice3A_32 : vector<128x128xf32>
      %mul3A_39 = arith.constant 128 : i32
      %mul3A_40 = arith.muli %arg1, %mul3A_39 : i32
      %swap3A = arith.constant 0 : index
      %swap3A_41 = arith.index_cast %mul3A_40 : i32 to index
      %swap3A_42 = vector.load %arg8[%swap3A, %swap3A_41] : memref<512x1408xf32, #tpu.memory_space<vmem>>, vector<128x128xf32>
      tpu.vector_store %arg8[%swap3A, %swap3A_41], %mul3A_38 {strides = array<i32>} : memref<512x1408xf32, #tpu.memory_space<vmem>>, vector<128x128xf32>,
    } else {
    }
    %gt3A_9 = arith.constant 128 : i32
    %gt3A_10 = arith.cmpi sgt, %get3A_1, %gt3A_9 : i32
    %convert_element_type3A_11 = arith.extui %gt3A_10 : i1 to i32
    %cond3A_12 = arith.constant 0 : i32
    %cond3A_13 = arith.cmpi ne, %convert_element_type3A_11, %cond3A_12 : i32
    scf.if %cond3A_13 {
      %get3A_28 = arith.constant 128 : index
      %get3A_29 = arith.constant 0 : index
      %get3A_30 = vector.load %arg3[%get3A_28, %get3A_29] : memref<512x2048xf32, #tpu.memory_space<vmem>>, vector<128x2048xf32>
      %dot_general3A = arith.constant dense<0.000000e+00> : vector<128x256xf32>
      %dot_general3A_31 = tpu.matmul %get3A_30, %reshape3A, %dot_general3A {dimension_numbers = #tpu.dot_dimension_numbers<[1], [1], [0], [0], [0, 0, 1, 0], [], []>, transpose_lhs_hint = false} : vector<128x2048xf32>, vector<256x2048xf32>, vector<128x256xf32> -> vector<128x256xf32>
      %slice3A = vector.extract_strided_slice %dot_general3A_31 {offsets = [0, 0], sizes = [128, 128], strides = [1, 1]} : vector<128x256xf32> to vector<128x128xf32>
      %slice3A_32 = vector.extract_strided_slice %dot_general3A_31 {offsets = [0, 128], sizes = [128, 128], strides = [1, 1]} : vector<128x256xf32> to vector<128x128xf32>
      %logistic3A = arith.negf %slice3A : vector<128x128xf32>
      %logistic3A_33 = math.exp %logistic3A : vector<128x128xf32>
      %logistic3A_34 = arith.constant 1.000000e+00 : f32
      %logistic3A_35 = vector.broadcast %logistic3A_34 : f32 to vector<128x128xf32>
      %logistic3A_36 = arith.addf %logistic3A_35, %logistic3A_33 : vector<128x128xf32>
      %logistic3A_37 = arith.divf %logistic3A_35, %logistic3A_36 : vector<128x128xf32>
      %mul3A = arith.mulf %slice3A, %logistic3A_37 : vector<128x128xf32>
      %mul3A_38 = arith.mulf %mul3A, %slice3A_32 : vector<128x128xf32>
      %mul3A_39 = arith.constant 128 : i32
      %mul3A_40 = arith.muli %arg1, %mul3A_39 : i32
      %swap3A = arith.constant 128 : index
      %swap3A_41 = arith.index_cast %mul3A_40 : i32 to index
      %swap3A_42 = vector.load %arg8[%swap3A, %swap3A_41] : memref<512x1408xf32, #tpu.memory_space<vmem>>, vector<128x128xf32>
      tpu.vector_store %arg8[%swap3A, %swap3A_41], %mul3A_38 {strides = array<i32>} : memref<512x1408xf32, #tpu.memory_space<vmem>>, vector<128x128xf32>,
    } else {
    }
    %gt3A_14 = arith.constant 256 : i32
    %gt3A_15 = arith.cmpi sgt, %get3A_1, %gt3A_14 : i32
    %convert_element_type3A_16 = arith.extui %gt3A_15 : i1 to i32
    %cond3A_17 = arith.constant 0 : i32
    %cond3A_18 = arith.cmpi ne, %convert_element_type3A_16, %cond3A_17 : i32
    scf.if %cond3A_18 {
      %get3A_28 = arith.constant 256 : index
      %get3A_29 = arith.constant 0 : index
      %get3A_30 = vector.load %arg3[%get3A_28, %get3A_29] : memref<512x2048xf32, #tpu.memory_space<vmem>>, vector<128x2048xf32>
      %dot_general3A = arith.constant dense<0.000000e+00> : vector<128x256xf32>
      %dot_general3A_31 = tpu.matmul %get3A_30, %reshape3A, %dot_general3A {dimension_numbers = #tpu.dot_dimension_numbers<[1], [1], [0], [0], [0, 0, 1, 0], [], []>, transpose_lhs_hint = false} : vector<128x2048xf32>, vector<256x2048xf32>, vector<128x256xf32> -> vector<128x256xf32>
      %slice3A = vector.extract_strided_slice %dot_general3A_31 {offsets = [0, 0], sizes = [128, 128], strides = [1, 1]} : vector<128x256xf32> to vector<128x128xf32>
      %slice3A_32 = vector.extract_strided_slice %dot_general3A_31 {offsets = [0, 128], sizes = [128, 128], strides = [1, 1]} : vector<128x256xf32> to vector<128x128xf32>
      %logistic3A = arith.negf %slice3A : vector<128x128xf32>
      %logistic3A_33 = math.exp %logistic3A : vector<128x128xf32>
      %logistic3A_34 = arith.constant 1.000000e+00 : f32
      %logistic3A_35 = vector.broadcast %logistic3A_34 : f32 to vector<128x128xf32>
      %logistic3A_36 = arith.addf %logistic3A_35, %logistic3A_33 : vector<128x128xf32>
      %logistic3A_37 = arith.divf %logistic3A_35, %logistic3A_36 : vector<128x128xf32>
      %mul3A = arith.mulf %slice3A, %logistic3A_37 : vector<128x128xf32>
      %mul3A_38 = arith.mulf %mul3A, %slice3A_32 : vector<128x128xf32>
      %mul3A_39 = arith.constant 128 : i32
      %mul3A_40 = arith.muli %arg1, %mul3A_39 : i32
      %swap3A = arith.constant 256 : index
      %swap3A_41 = arith.index_cast %mul3A_40 : i32 to index
      %swap3A_42 = vector.load %arg8[%swap3A, %swap3A_41] : memref<512x1408xf32, #tpu.memory_space<vmem>>, vector<128x128xf32>
      tpu.vector_store %arg8[%swap3A, %swap3A_41], %mul3A_38 {strides = array<i32>} : memref<512x1408xf32, #tpu.memory_space<vmem>>, vector<128x128xf32>,
    } else {
    }
    %gt3A_19 = arith.constant 384 : i32
    %gt3A_20 = arith.cmpi sgt, %get3A_1, %gt3A_19 : i32
    %convert_element_type3A_21 = arith.extui %gt3A_20 : i1 to i32
    %cond3A_22 = arith.constant 0 : i32
    %cond3A_23 = arith.cmpi ne, %convert_element_type3A_21, %cond3A_22 : i32
    scf.if %cond3A_23 {
      %get3A_28 = arith.constant 384 : index
      %get3A_29 = arith.constant 0 : index
      %get3A_30 = vector.load %arg3[%get3A_28, %get3A_29] : memref<512x2048xf32, #tpu.memory_space<vmem>>, vector<128x2048xf32>
      %dot_general3A = arith.constant dense<0.000000e+00> : vector<128x256xf32>
      %dot_general3A_31 = tpu.matmul %get3A_30, %reshape3A, %dot_general3A {dimension_numbers = #tpu.dot_dimension_numbers<[1], [1], [0], [0], [0, 0, 1, 0], [], []>, transpose_lhs_hint = false} : vector<128x2048xf32>, vector<256x2048xf32>, vector<128x256xf32> -> vector<128x256xf32>
      %slice3A = vector.extract_strided_slice %dot_general3A_31 {offsets = [0, 0], sizes = [128, 128], strides = [1, 1]} : vector<128x256xf32> to vector<128x128xf32>
      %slice3A_32 = vector.extract_strided_slice %dot_general3A_31 {offsets = [0, 128], sizes = [128, 128], strides = [1, 1]} : vector<128x256xf32> to vector<128x128xf32>
      %logistic3A = arith.negf %slice3A : vector<128x128xf32>
      %logistic3A_33 = math.exp %logistic3A : vector<128x128xf32>
      %logistic3A_34 = arith.constant 1.000000e+00 : f32
      %logistic3A_35 = vector.broadcast %logistic3A_34 : f32 to vector<128x128xf32>
      %logistic3A_36 = arith.addf %logistic3A_35, %logistic3A_33 : vector<128x128xf32>
      %logistic3A_37 = arith.divf %logistic3A_35, %logistic3A_36 : vector<128x128xf32>
      %mul3A = arith.mulf %slice3A, %logistic3A_37 : vector<128x128xf32>
      %mul3A_38 = arith.mulf %mul3A, %slice3A_32 : vector<128x128xf32>
      %mul3A_39 = arith.constant 128 : i32
      %mul3A_40 = arith.muli %arg1, %mul3A_39 : i32
      %swap3A = arith.constant 384 : index
      %swap3A_41 = arith.index_cast %mul3A_40 : i32 to index
      %swap3A_42 = vector.load %arg8[%swap3A, %swap3A_41] : memref<512x1408xf32, #tpu.memory_space<vmem>>, vector<128x128xf32>
      tpu.vector_store %arg8[%swap3A, %swap3A_41], %mul3A_38 {strides = array<i32>} : memref<512x1408xf32, #tpu.memory_space<vmem>>, vector<128x128xf32>,
    } else {
    }
    %eq3A = arith.constant 10 : i32
    %eq3A_24 = arith.cmpi eq, %arg1, %eq3A : i32
    %convert_element_type3A_25 = arith.extui %eq3A_24 : i1 to i32
    %cond3A_26 = arith.constant 0 : i32
    %cond3A_27 = arith.cmpi ne, %convert_element_type3A_25, %cond3A_26 : i32
    scf.if %cond3A_27 {
      %get3A_28 = arith.constant 0 : index
      %get3A_29 = arith.constant 0 : index
      %get3A_30 = arith.constant 0 : index
      %get3A_31 = vector.load %arg5[%get3A_28, %get3A_29, %get3A_30] : memref<1x2048x1408xf32, #tpu.memory_space<vmem>>, vector<1x2048x1408xf32>
      %get3A_32 = vector.shape_cast %get3A_31 : vector<1x2048x1408xf32> to vector<2048x1408xf32>
      %gt3A_33 = arith.constant 0 : i32
      %gt3A_34 = arith.cmpi sgt, %get3A_1, %gt3A_33 : i32
      %convert_element_type3A_35 = arith.extui %gt3A_34 : i1 to i32
      %cond3A_36 = arith.constant 0 : i32
      %cond3A_37 = arith.cmpi ne, %convert_element_type3A_35, %cond3A_36 : i32
      scf.if %cond3A_37 {
        %get3A_53 = arith.constant 0 : index
        %get3A_54 = arith.constant 0 : index
        %get3A_55 = vector.load %arg8[%get3A_53, %get3A_54] : memref<512x1408xf32, #tpu.memory_space<vmem>>, vector<128x1408xf32>
        %dot_general3A = arith.constant dense<0.000000e+00> : vector<128x2048xf32>
        %dot_general3A_56 = tpu.matmul %get3A_55, %get3A_32, %dot_general3A {dimension_numbers = #tpu.dot_dimension_numbers<[1], [1], [0], [0], [0, 0, 1, 0], [], []>, transpose_lhs_hint = false} : vector<128x1408xf32>, vector<2048x1408xf32>, vector<128x2048xf32> -> vector<128x2048xf32>
        %swap3A = arith.constant 0 : index
        %swap3A_57 = arith.constant 0 : index
        %swap3A_58 = vector.load %arg7[%swap3A, %swap3A_57] : memref<512x2048xf32, #tpu.memory_space<vmem>>, vector<128x2048xf32>
        tpu.vector_store %arg7[%swap3A, %swap3A_57], %dot_general3A_56 {strides = array<i32>} : memref<512x2048xf32, #tpu.memory_space<vmem>>, vector<128x2048xf32>,
      } else {
      }
      %gt3A_38 = arith.constant 128 : i32
      %gt3A_39 = arith.cmpi sgt, %get3A_1, %gt3A_38 : i32
      %convert_element_type3A_40 = arith.extui %gt3A_39 : i1 to i32
      %cond3A_41 = arith.constant 0 : i32
      %cond3A_42 = arith.cmpi ne, %convert_element_type3A_40, %cond3A_41 : i32
      scf.if %cond3A_42 {
        %get3A_53 = arith.constant 128 : index
        %get3A_54 = arith.constant 0 : index
        %get3A_55 = vector.load %arg8[%get3A_53, %get3A_54] : memref<512x1408xf32, #tpu.memory_space<vmem>>, vector<128x1408xf32>
        %dot_general3A = arith.constant dense<0.000000e+00> : vector<128x2048xf32>
        %dot_general3A_56 = tpu.matmul %get3A_55, %get3A_32, %dot_general3A {dimension_numbers = #tpu.dot_dimension_numbers<[1], [1], [0], [0], [0, 0, 1, 0], [], []>, transpose_lhs_hint = false} : vector<128x1408xf32>, vector<2048x1408xf32>, vector<128x2048xf32> -> vector<128x2048xf32>
        %swap3A = arith.constant 128 : index
        %swap3A_57 = arith.constant 0 : index
        %swap3A_58 = vector.load %arg7[%swap3A, %swap3A_57] : memref<512x2048xf32, #tpu.memory_space<vmem>>, vector<128x2048xf32>
        tpu.vector_store %arg7[%swap3A, %swap3A_57], %dot_general3A_56 {strides = array<i32>} : memref<512x2048xf32, #tpu.memory_space<vmem>>, vector<128x2048xf32>,
      } else {
      }
      %gt3A_43 = arith.constant 256 : i32
      %gt3A_44 = arith.cmpi sgt, %get3A_1, %gt3A_43 : i32
      %convert_element_type3A_45 = arith.extui %gt3A_44 : i1 to i32
      %cond3A_46 = arith.constant 0 : i32
      %cond3A_47 = arith.cmpi ne, %convert_element_type3A_45, %cond3A_46 : i32
      scf.if %cond3A_47 {
        %get3A_53 = arith.constant 256 : index
        %get3A_54 = arith.constant 0 : index
        %get3A_55 = vector.load %arg8[%get3A_53, %get3A_54] : memref<512x1408xf32, #tpu.memory_space<vmem>>, vector<128x1408xf32>
        %dot_general3A = arith.constant dense<0.000000e+00> : vector<128x2048xf32>
        %dot_general3A_56 = tpu.matmul %get3A_55, %get3A_32, %dot_general3A {dimension_numbers = #tpu.dot_dimension_numbers<[1], [1], [0], [0], [0, 0, 1, 0], [], []>, transpose_lhs_hint = false} : vector<128x1408xf32>, vector<2048x1408xf32>, vector<128x2048xf32> -> vector<128x2048xf32>
        %swap3A = arith.constant 256 : index
        %swap3A_57 = arith.constant 0 : index
        %swap3A_58 = vector.load %arg7[%swap3A, %swap3A_57] : memref<512x2048xf32, #tpu.memory_space<vmem>>, vector<128x2048xf32>
        tpu.vector_store %arg7[%swap3A, %swap3A_57], %dot_general3A_56 {strides = array<i32>} : memref<512x2048xf32, #tpu.memory_space<vmem>>, vector<128x2048xf32>,
      } else {
      }
      %gt3A_48 = arith.constant 384 : i32
      %gt3A_49 = arith.cmpi sgt, %get3A_1, %gt3A_48 : i32
      %convert_element_type3A_50 = arith.extui %gt3A_49 : i1 to i32
      %cond3A_51 = arith.constant 0 : i32
      %cond3A_52 = arith.cmpi ne, %convert_element_type3A_50, %cond3A_51 : i32
      scf.if %cond3A_52 {
        %get3A_53 = arith.constant 384 : index
        %get3A_54 = arith.constant 0 : index
        %get3A_55 = vector.load %arg8[%get3A_53, %get3A_54] : memref<512x1408xf32, #tpu.memory_space<vmem>>, vector<128x1408xf32>
        %dot_general3A = arith.constant dense<0.000000e+00> : vector<128x2048xf32>
        %dot_general3A_56 = tpu.matmul %get3A_55, %get3A_32, %dot_general3A {dimension_numbers = #tpu.dot_dimension_numbers<[1], [1], [0], [0], [0, 0, 1, 0], [], []>, transpose_lhs_hint = false} : vector<128x1408xf32>, vector<2048x1408xf32>, vector<128x2048xf32> -> vector<128x2048xf32>
        %swap3A = arith.constant 384 : index
        %swap3A_57 = arith.constant 0 : index
        %swap3A_58 = vector.load %arg7[%swap3A, %swap3A_57] : memref<512x2048xf32, #tpu.memory_space<vmem>>, vector<128x2048xf32>
        tpu.vector_store %arg7[%swap3A, %swap3A_57], %dot_general3A_56 {strides = array<i32>} : memref<512x2048xf32, #tpu.memory_space<vmem>>, vector<128x2048xf32>,
      } else {
      }
    } else {
    }
    return
  }
  func.func @transform_0(%arg0: i32, %arg1: i32, %arg2: memref<1x16xi32, #tpu.memory_space<smem>>) -> (i32, i32) {
    %c0_i32 = arith.constant 0 : i32
    %c0_i32_0 = arith.constant 0 : i32
    return %arg0, %c0_i32 : i32, i32
  }
  func.func @transform_1(%arg0: i32, %arg1: i32, %arg2: memref<1x16xi32, #tpu.memory_space<smem>>) -> (i32, i32, i32, i32) {
    %c0_i32 = arith.constant 0 : i32
    %c0_i32_0 = arith.constant 0 : i32
    %c0_i32_1 = arith.constant 0 : i32
    return %arg0, %c0_i32, %arg1, %c0_i32_0 : i32, i32, i32, i32
  }
  func.func @transform_2(%arg0: i32, %arg1: i32, %arg2: memref<1x16xi32, #tpu.memory_space<smem>>) -> (i32, i32, i32) {
    %c0_i32 = arith.constant 0 : i32
    %c0_i32_0 = arith.constant 0 : i32
    %c0_i32_1 = arith.constant 0 : i32
    return %arg0, %c0_i32, %c0_i32_0 : i32, i32, i32
  }
  func.func @transform_3(%arg0: i32, %arg1: i32, %arg2: memref<1x16xi32, #tpu.memory_space<smem>>) -> (i32, i32) {
    %c0_i32 = arith.constant 0 : i32
    %c0_i32_0 = arith.constant 0 : i32
    %c0_i32_1 = arith.constant 0 : i32
    return %c0_i32, %c0_i32_0 : i32, i32
  }
  func.func @transform_4(%arg0: i32, %arg1: i32, %arg2: memref<1x16xi32, #tpu.memory_space<smem>>) -> (i32, i32) {
    %c0_i32 = arith.constant 0 : i32
    %c0_i32_0 = arith.constant 0 : i32
    return %arg0, %c0_i32 : i32, i32
  }
}

module attributes {stable_mosaic.version = 14 : i64} {
  func.func @_shared_dep_body(%arg0: i32, %arg1: memref<1024x2048xf32, #tpu.memory_space<vmem>>, %arg2: memref<1x2x128x2048xf32, #tpu.memory_space<vmem>>, %arg3: memref<1x2048x1408xf32, #tpu.memory_space<vmem>>, %arg4: memref<8x128xf32, #tpu.memory_space<vmem>>, %arg5: memref<1024x2048xf32, #tpu.memory_space<vmem>>, %arg6: memref<1024x1408xf32, #tpu.memory_space<vmem>>) attributes {dimension_semantics = [#tpu.dimension_semantics<arbitrary>], iteration_bounds = array<i64: 11>, scalar_prefetch = 0 : i64, scratch_operands = 1 : i64, tpu.core_type = #tpu.core_type<tc>, window_params = [{transform_indices = @transform_0, window_bounds = array<i64: 1024, 2048>}, {transform_indices = @transform_1, window_bounds = array<i64: 1, 2, 128, 2048>}, {pipeline_mode = #tpu.pipeline_mode<synchronous>, transform_indices = @transform_2, window_bounds = array<i64: 1, 2048, 1408>}, {transform_indices = @transform_3, window_bounds = array<i64: 8, 128>}, {pipeline_mode = #tpu.pipeline_mode<synchronous>, transform_indices = @transform_4, window_bounds = array<i64: 1024, 2048>}]} {
    %get3A = arith.constant 0 : index
    %get3A_0 = arith.constant 0 : index
    %get3A_1 = arith.constant 0 : index
    %get3A_2 = arith.constant 0 : index
    %get3A_3 = vector.load %arg2[%get3A, %get3A_0, %get3A_1, %get3A_2] : memref<1x2x128x2048xf32, #tpu.memory_space<vmem>>, vector<1x2x128x2048xf32>
    %reshape3A = vector.shape_cast %get3A_3 : vector<1x2x128x2048xf32> to vector<256x2048xf32>
    %get3A_4 = arith.constant 0 : index
    %get3A_5 = arith.constant 0 : index
    %get3A_6 = vector.load %arg1[%get3A_4, %get3A_5] : memref<1024x2048xf32, #tpu.memory_space<vmem>>, vector<128x2048xf32>
    %dot_general3A = arith.constant dense<0.000000e+00> : vector<128x256xf32>
    %dot_general3A_7 = tpu.matmul %get3A_6, %reshape3A, %dot_general3A {dimension_numbers = #tpu.dot_dimension_numbers<[1], [1], [0], [0], [0, 0, 1, 0], [], []>, transpose_lhs_hint = false} : vector<128x2048xf32>, vector<256x2048xf32>, vector<128x256xf32> -> vector<128x256xf32>
    %slice3A = vector.extract_strided_slice %dot_general3A_7 {offsets = [0, 0], sizes = [128, 128], strides = [1, 1]} : vector<128x256xf32> to vector<128x128xf32>
    %slice3A_8 = vector.extract_strided_slice %dot_general3A_7 {offsets = [0, 128], sizes = [128, 128], strides = [1, 1]} : vector<128x256xf32> to vector<128x128xf32>
    %logistic3A = arith.negf %slice3A : vector<128x128xf32>
    %logistic3A_9 = math.exp %logistic3A : vector<128x128xf32>
    %logistic3A_10 = arith.constant 1.000000e+00 : f32
    %logistic3A_11 = vector.broadcast %logistic3A_10 : f32 to vector<128x128xf32>
    %logistic3A_12 = arith.addf %logistic3A_11, %logistic3A_9 : vector<128x128xf32>
    %logistic3A_13 = arith.divf %logistic3A_11, %logistic3A_12 : vector<128x128xf32>
    %mul3A = arith.mulf %slice3A, %logistic3A_13 : vector<128x128xf32>
    %mul3A_14 = arith.mulf %mul3A, %slice3A_8 : vector<128x128xf32>
    %mul3A_15 = arith.constant 128 : i32
    %mul3A_16 = arith.muli %arg0, %mul3A_15 : i32
    %swap3A = arith.constant 0 : index
    %swap3A_17 = arith.index_cast %mul3A_16 : i32 to index
    %swap3A_18 = vector.load %arg6[%swap3A, %swap3A_17] : memref<1024x1408xf32, #tpu.memory_space<vmem>>, vector<128x128xf32>
    tpu.vector_store %arg6[%swap3A, %swap3A_17], %mul3A_14 {strides = array<i32>} : memref<1024x1408xf32, #tpu.memory_space<vmem>>, vector<128x128xf32>,
    %get3A_19 = arith.constant 128 : index
    %get3A_20 = arith.constant 0 : index
    %get3A_21 = vector.load %arg1[%get3A_19, %get3A_20] : memref<1024x2048xf32, #tpu.memory_space<vmem>>, vector<128x2048xf32>
    %dot_general3A_22 = arith.constant dense<0.000000e+00> : vector<128x256xf32>
    %dot_general3A_23 = tpu.matmul %get3A_21, %reshape3A, %dot_general3A_22 {dimension_numbers = #tpu.dot_dimension_numbers<[1], [1], [0], [0], [0, 0, 1, 0], [], []>, transpose_lhs_hint = false} : vector<128x2048xf32>, vector<256x2048xf32>, vector<128x256xf32> -> vector<128x256xf32>
    %slice3A_24 = vector.extract_strided_slice %dot_general3A_23 {offsets = [0, 0], sizes = [128, 128], strides = [1, 1]} : vector<128x256xf32> to vector<128x128xf32>
    %slice3A_25 = vector.extract_strided_slice %dot_general3A_23 {offsets = [0, 128], sizes = [128, 128], strides = [1, 1]} : vector<128x256xf32> to vector<128x128xf32>
    %logistic3A_26 = arith.negf %slice3A_24 : vector<128x128xf32>
    %logistic3A_27 = math.exp %logistic3A_26 : vector<128x128xf32>
    %logistic3A_28 = arith.constant 1.000000e+00 : f32
    %logistic3A_29 = vector.broadcast %logistic3A_28 : f32 to vector<128x128xf32>
    %logistic3A_30 = arith.addf %logistic3A_29, %logistic3A_27 : vector<128x128xf32>
    %logistic3A_31 = arith.divf %logistic3A_29, %logistic3A_30 : vector<128x128xf32>
    %mul3A_32 = arith.mulf %slice3A_24, %logistic3A_31 : vector<128x128xf32>
    %mul3A_33 = arith.mulf %mul3A_32, %slice3A_25 : vector<128x128xf32>
    %mul3A_34 = arith.constant 128 : i32
    %mul3A_35 = arith.muli %arg0, %mul3A_34 : i32
    %swap3A_36 = arith.constant 128 : index
    %swap3A_37 = arith.index_cast %mul3A_35 : i32 to index
    %swap3A_38 = vector.load %arg6[%swap3A_36, %swap3A_37] : memref<1024x1408xf32, #tpu.memory_space<vmem>>, vector<128x128xf32>
    tpu.vector_store %arg6[%swap3A_36, %swap3A_37], %mul3A_33 {strides = array<i32>} : memref<1024x1408xf32, #tpu.memory_space<vmem>>, vector<128x128xf32>,
    %get3A_39 = arith.constant 256 : index
    %get3A_40 = arith.constant 0 : index
    %get3A_41 = vector.load %arg1[%get3A_39, %get3A_40] : memref<1024x2048xf32, #tpu.memory_space<vmem>>, vector<128x2048xf32>
    %dot_general3A_42 = arith.constant dense<0.000000e+00> : vector<128x256xf32>
    %dot_general3A_43 = tpu.matmul %get3A_41, %reshape3A, %dot_general3A_42 {dimension_numbers = #tpu.dot_dimension_numbers<[1], [1], [0], [0], [0, 0, 1, 0], [], []>, transpose_lhs_hint = false} : vector<128x2048xf32>, vector<256x2048xf32>, vector<128x256xf32> -> vector<128x256xf32>
    %slice3A_44 = vector.extract_strided_slice %dot_general3A_43 {offsets = [0, 0], sizes = [128, 128], strides = [1, 1]} : vector<128x256xf32> to vector<128x128xf32>
    %slice3A_45 = vector.extract_strided_slice %dot_general3A_43 {offsets = [0, 128], sizes = [128, 128], strides = [1, 1]} : vector<128x256xf32> to vector<128x128xf32>
    %logistic3A_46 = arith.negf %slice3A_44 : vector<128x128xf32>
    %logistic3A_47 = math.exp %logistic3A_46 : vector<128x128xf32>
    %logistic3A_48 = arith.constant 1.000000e+00 : f32
    %logistic3A_49 = vector.broadcast %logistic3A_48 : f32 to vector<128x128xf32>
    %logistic3A_50 = arith.addf %logistic3A_49, %logistic3A_47 : vector<128x128xf32>
    %logistic3A_51 = arith.divf %logistic3A_49, %logistic3A_50 : vector<128x128xf32>
    %mul3A_52 = arith.mulf %slice3A_44, %logistic3A_51 : vector<128x128xf32>
    %mul3A_53 = arith.mulf %mul3A_52, %slice3A_45 : vector<128x128xf32>
    %mul3A_54 = arith.constant 128 : i32
    %mul3A_55 = arith.muli %arg0, %mul3A_54 : i32
    %swap3A_56 = arith.constant 256 : index
    %swap3A_57 = arith.index_cast %mul3A_55 : i32 to index
    %swap3A_58 = vector.load %arg6[%swap3A_56, %swap3A_57] : memref<1024x1408xf32, #tpu.memory_space<vmem>>, vector<128x128xf32>
    tpu.vector_store %arg6[%swap3A_56, %swap3A_57], %mul3A_53 {strides = array<i32>} : memref<1024x1408xf32, #tpu.memory_space<vmem>>, vector<128x128xf32>,
    %get3A_59 = arith.constant 384 : index
    %get3A_60 = arith.constant 0 : index
    %get3A_61 = vector.load %arg1[%get3A_59, %get3A_60] : memref<1024x2048xf32, #tpu.memory_space<vmem>>, vector<128x2048xf32>
    %dot_general3A_62 = arith.constant dense<0.000000e+00> : vector<128x256xf32>
    %dot_general3A_63 = tpu.matmul %get3A_61, %reshape3A, %dot_general3A_62 {dimension_numbers = #tpu.dot_dimension_numbers<[1], [1], [0], [0], [0, 0, 1, 0], [], []>, transpose_lhs_hint = false} : vector<128x2048xf32>, vector<256x2048xf32>, vector<128x256xf32> -> vector<128x256xf32>
    %slice3A_64 = vector.extract_strided_slice %dot_general3A_63 {offsets = [0, 0], sizes = [128, 128], strides = [1, 1]} : vector<128x256xf32> to vector<128x128xf32>
    %slice3A_65 = vector.extract_strided_slice %dot_general3A_63 {offsets = [0, 128], sizes = [128, 128], strides = [1, 1]} : vector<128x256xf32> to vector<128x128xf32>
    %logistic3A_66 = arith.negf %slice3A_64 : vector<128x128xf32>
    %logistic3A_67 = math.exp %logistic3A_66 : vector<128x128xf32>
    %logistic3A_68 = arith.constant 1.000000e+00 : f32
    %logistic3A_69 = vector.broadcast %logistic3A_68 : f32 to vector<128x128xf32>
    %logistic3A_70 = arith.addf %logistic3A_69, %logistic3A_67 : vector<128x128xf32>
    %logistic3A_71 = arith.divf %logistic3A_69, %logistic3A_70 : vector<128x128xf32>
    %mul3A_72 = arith.mulf %slice3A_64, %logistic3A_71 : vector<128x128xf32>
    %mul3A_73 = arith.mulf %mul3A_72, %slice3A_65 : vector<128x128xf32>
    %mul3A_74 = arith.constant 128 : i32
    %mul3A_75 = arith.muli %arg0, %mul3A_74 : i32
    %swap3A_76 = arith.constant 384 : index
    %swap3A_77 = arith.index_cast %mul3A_75 : i32 to index
    %swap3A_78 = vector.load %arg6[%swap3A_76, %swap3A_77] : memref<1024x1408xf32, #tpu.memory_space<vmem>>, vector<128x128xf32>
    tpu.vector_store %arg6[%swap3A_76, %swap3A_77], %mul3A_73 {strides = array<i32>} : memref<1024x1408xf32, #tpu.memory_space<vmem>>, vector<128x128xf32>,
    %get3A_79 = arith.constant 512 : index
    %get3A_80 = arith.constant 0 : index
    %get3A_81 = vector.load %arg1[%get3A_79, %get3A_80] : memref<1024x2048xf32, #tpu.memory_space<vmem>>, vector<128x2048xf32>
    %dot_general3A_82 = arith.constant dense<0.000000e+00> : vector<128x256xf32>
    %dot_general3A_83 = tpu.matmul %get3A_81, %reshape3A, %dot_general3A_82 {dimension_numbers = #tpu.dot_dimension_numbers<[1], [1], [0], [0], [0, 0, 1, 0], [], []>, transpose_lhs_hint = false} : vector<128x2048xf32>, vector<256x2048xf32>, vector<128x256xf32> -> vector<128x256xf32>
    %slice3A_84 = vector.extract_strided_slice %dot_general3A_83 {offsets = [0, 0], sizes = [128, 128], strides = [1, 1]} : vector<128x256xf32> to vector<128x128xf32>
    %slice3A_85 = vector.extract_strided_slice %dot_general3A_83 {offsets = [0, 128], sizes = [128, 128], strides = [1, 1]} : vector<128x256xf32> to vector<128x128xf32>
    %logistic3A_86 = arith.negf %slice3A_84 : vector<128x128xf32>
    %logistic3A_87 = math.exp %logistic3A_86 : vector<128x128xf32>
    %logistic3A_88 = arith.constant 1.000000e+00 : f32
    %logistic3A_89 = vector.broadcast %logistic3A_88 : f32 to vector<128x128xf32>
    %logistic3A_90 = arith.addf %logistic3A_89, %logistic3A_87 : vector<128x128xf32>
    %logistic3A_91 = arith.divf %logistic3A_89, %logistic3A_90 : vector<128x128xf32>
    %mul3A_92 = arith.mulf %slice3A_84, %logistic3A_91 : vector<128x128xf32>
    %mul3A_93 = arith.mulf %mul3A_92, %slice3A_85 : vector<128x128xf32>
    %mul3A_94 = arith.constant 128 : i32
    %mul3A_95 = arith.muli %arg0, %mul3A_94 : i32
    %swap3A_96 = arith.constant 512 : index
    %swap3A_97 = arith.index_cast %mul3A_95 : i32 to index
    %swap3A_98 = vector.load %arg6[%swap3A_96, %swap3A_97] : memref<1024x1408xf32, #tpu.memory_space<vmem>>, vector<128x128xf32>
    tpu.vector_store %arg6[%swap3A_96, %swap3A_97], %mul3A_93 {strides = array<i32>} : memref<1024x1408xf32, #tpu.memory_space<vmem>>, vector<128x128xf32>,
    %get3A_99 = arith.constant 640 : index
    %get3A_100 = arith.constant 0 : index
    %get3A_101 = vector.load %arg1[%get3A_99, %get3A_100] : memref<1024x2048xf32, #tpu.memory_space<vmem>>, vector<128x2048xf32>
    %dot_general3A_102 = arith.constant dense<0.000000e+00> : vector<128x256xf32>
    %dot_general3A_103 = tpu.matmul %get3A_101, %reshape3A, %dot_general3A_102 {dimension_numbers = #tpu.dot_dimension_numbers<[1], [1], [0], [0], [0, 0, 1, 0], [], []>, transpose_lhs_hint = false} : vector<128x2048xf32>, vector<256x2048xf32>, vector<128x256xf32> -> vector<128x256xf32>
    %slice3A_104 = vector.extract_strided_slice %dot_general3A_103 {offsets = [0, 0], sizes = [128, 128], strides = [1, 1]} : vector<128x256xf32> to vector<128x128xf32>
    %slice3A_105 = vector.extract_strided_slice %dot_general3A_103 {offsets = [0, 128], sizes = [128, 128], strides = [1, 1]} : vector<128x256xf32> to vector<128x128xf32>
    %logistic3A_106 = arith.negf %slice3A_104 : vector<128x128xf32>
    %logistic3A_107 = math.exp %logistic3A_106 : vector<128x128xf32>
    %logistic3A_108 = arith.constant 1.000000e+00 : f32
    %logistic3A_109 = vector.broadcast %logistic3A_108 : f32 to vector<128x128xf32>
    %logistic3A_110 = arith.addf %logistic3A_109, %logistic3A_107 : vector<128x128xf32>
    %logistic3A_111 = arith.divf %logistic3A_109, %logistic3A_110 : vector<128x128xf32>
    %mul3A_112 = arith.mulf %slice3A_104, %logistic3A_111 : vector<128x128xf32>
    %mul3A_113 = arith.mulf %mul3A_112, %slice3A_105 : vector<128x128xf32>
    %mul3A_114 = arith.constant 128 : i32
    %mul3A_115 = arith.muli %arg0, %mul3A_114 : i32
    %swap3A_116 = arith.constant 640 : index
    %swap3A_117 = arith.index_cast %mul3A_115 : i32 to index
    %swap3A_118 = vector.load %arg6[%swap3A_116, %swap3A_117] : memref<1024x1408xf32, #tpu.memory_space<vmem>>, vector<128x128xf32>
    tpu.vector_store %arg6[%swap3A_116, %swap3A_117], %mul3A_113 {strides = array<i32>} : memref<1024x1408xf32, #tpu.memory_space<vmem>>, vector<128x128xf32>,
    %get3A_119 = arith.constant 768 : index
    %get3A_120 = arith.constant 0 : index
    %get3A_121 = vector.load %arg1[%get3A_119, %get3A_120] : memref<1024x2048xf32, #tpu.memory_space<vmem>>, vector<128x2048xf32>
    %dot_general3A_122 = arith.constant dense<0.000000e+00> : vector<128x256xf32>
    %dot_general3A_123 = tpu.matmul %get3A_121, %reshape3A, %dot_general3A_122 {dimension_numbers = #tpu.dot_dimension_numbers<[1], [1], [0], [0], [0, 0, 1, 0], [], []>, transpose_lhs_hint = false} : vector<128x2048xf32>, vector<256x2048xf32>, vector<128x256xf32> -> vector<128x256xf32>
    %slice3A_124 = vector.extract_strided_slice %dot_general3A_123 {offsets = [0, 0], sizes = [128, 128], strides = [1, 1]} : vector<128x256xf32> to vector<128x128xf32>
    %slice3A_125 = vector.extract_strided_slice %dot_general3A_123 {offsets = [0, 128], sizes = [128, 128], strides = [1, 1]} : vector<128x256xf32> to vector<128x128xf32>
    %logistic3A_126 = arith.negf %slice3A_124 : vector<128x128xf32>
    %logistic3A_127 = math.exp %logistic3A_126 : vector<128x128xf32>
    %logistic3A_128 = arith.constant 1.000000e+00 : f32
    %logistic3A_129 = vector.broadcast %logistic3A_128 : f32 to vector<128x128xf32>
    %logistic3A_130 = arith.addf %logistic3A_129, %logistic3A_127 : vector<128x128xf32>
    %logistic3A_131 = arith.divf %logistic3A_129, %logistic3A_130 : vector<128x128xf32>
    %mul3A_132 = arith.mulf %slice3A_124, %logistic3A_131 : vector<128x128xf32>
    %mul3A_133 = arith.mulf %mul3A_132, %slice3A_125 : vector<128x128xf32>
    %mul3A_134 = arith.constant 128 : i32
    %mul3A_135 = arith.muli %arg0, %mul3A_134 : i32
    %swap3A_136 = arith.constant 768 : index
    %swap3A_137 = arith.index_cast %mul3A_135 : i32 to index
    %swap3A_138 = vector.load %arg6[%swap3A_136, %swap3A_137] : memref<1024x1408xf32, #tpu.memory_space<vmem>>, vector<128x128xf32>
    tpu.vector_store %arg6[%swap3A_136, %swap3A_137], %mul3A_133 {strides = array<i32>} : memref<1024x1408xf32, #tpu.memory_space<vmem>>, vector<128x128xf32>,
    %get3A_139 = arith.constant 896 : index
    %get3A_140 = arith.constant 0 : index
    %get3A_141 = vector.load %arg1[%get3A_139, %get3A_140] : memref<1024x2048xf32, #tpu.memory_space<vmem>>, vector<128x2048xf32>
    %dot_general3A_142 = arith.constant dense<0.000000e+00> : vector<128x256xf32>
    %dot_general3A_143 = tpu.matmul %get3A_141, %reshape3A, %dot_general3A_142 {dimension_numbers = #tpu.dot_dimension_numbers<[1], [1], [0], [0], [0, 0, 1, 0], [], []>, transpose_lhs_hint = false} : vector<128x2048xf32>, vector<256x2048xf32>, vector<128x256xf32> -> vector<128x256xf32>
    %slice3A_144 = vector.extract_strided_slice %dot_general3A_143 {offsets = [0, 0], sizes = [128, 128], strides = [1, 1]} : vector<128x256xf32> to vector<128x128xf32>
    %slice3A_145 = vector.extract_strided_slice %dot_general3A_143 {offsets = [0, 128], sizes = [128, 128], strides = [1, 1]} : vector<128x256xf32> to vector<128x128xf32>
    %logistic3A_146 = arith.negf %slice3A_144 : vector<128x128xf32>
    %logistic3A_147 = math.exp %logistic3A_146 : vector<128x128xf32>
    %logistic3A_148 = arith.constant 1.000000e+00 : f32
    %logistic3A_149 = vector.broadcast %logistic3A_148 : f32 to vector<128x128xf32>
    %logistic3A_150 = arith.addf %logistic3A_149, %logistic3A_147 : vector<128x128xf32>
    %logistic3A_151 = arith.divf %logistic3A_149, %logistic3A_150 : vector<128x128xf32>
    %mul3A_152 = arith.mulf %slice3A_144, %logistic3A_151 : vector<128x128xf32>
    %mul3A_153 = arith.mulf %mul3A_152, %slice3A_145 : vector<128x128xf32>
    %mul3A_154 = arith.constant 128 : i32
    %mul3A_155 = arith.muli %arg0, %mul3A_154 : i32
    %swap3A_156 = arith.constant 896 : index
    %swap3A_157 = arith.index_cast %mul3A_155 : i32 to index
    %swap3A_158 = vector.load %arg6[%swap3A_156, %swap3A_157] : memref<1024x1408xf32, #tpu.memory_space<vmem>>, vector<128x128xf32>
    tpu.vector_store %arg6[%swap3A_156, %swap3A_157], %mul3A_153 {strides = array<i32>} : memref<1024x1408xf32, #tpu.memory_space<vmem>>, vector<128x128xf32>,
    %eq3A = arith.constant 10 : i32
    %eq3A_159 = arith.cmpi eq, %arg0, %eq3A : i32
    %convert_element_type3A = arith.extui %eq3A_159 : i1 to i32
    %cond3A = arith.constant 0 : i32
    %cond3A_160 = arith.cmpi ne, %convert_element_type3A, %cond3A : i32
    scf.if %cond3A_160 {
      %get3A_161 = arith.constant 0 : index
      %get3A_162 = arith.constant 0 : index
      %get3A_163 = arith.constant 0 : index
      %get3A_164 = vector.load %arg3[%get3A_161, %get3A_162, %get3A_163] : memref<1x2048x1408xf32, #tpu.memory_space<vmem>>, vector<1x2048x1408xf32>
      %get3A_165 = vector.shape_cast %get3A_164 : vector<1x2048x1408xf32> to vector<2048x1408xf32>
      %get3A_166 = arith.constant 0 : index
      %get3A_167 = arith.constant 0 : index
      %get3A_168 = vector.load %arg6[%get3A_166, %get3A_167] : memref<1024x1408xf32, #tpu.memory_space<vmem>>, vector<128x1408xf32>
      %dot_general3A_169 = arith.constant dense<0.000000e+00> : vector<128x2048xf32>
      %dot_general3A_170 = tpu.matmul %get3A_168, %get3A_165, %dot_general3A_169 {dimension_numbers = #tpu.dot_dimension_numbers<[1], [1], [0], [0], [0, 0, 1, 0], [], []>, transpose_lhs_hint = false} : vector<128x1408xf32>, vector<2048x1408xf32>, vector<128x2048xf32> -> vector<128x2048xf32>
      %swap3A_171 = arith.constant 0 : index
      %swap3A_172 = arith.constant 0 : index
      %swap3A_173 = vector.load %arg5[%swap3A_171, %swap3A_172] : memref<1024x2048xf32, #tpu.memory_space<vmem>>, vector<128x2048xf32>
      tpu.vector_store %arg5[%swap3A_171, %swap3A_172], %dot_general3A_170 {strides = array<i32>} : memref<1024x2048xf32, #tpu.memory_space<vmem>>, vector<128x2048xf32>,
      %get3A_174 = arith.constant 128 : index
      %get3A_175 = arith.constant 0 : index
      %get3A_176 = vector.load %arg6[%get3A_174, %get3A_175] : memref<1024x1408xf32, #tpu.memory_space<vmem>>, vector<128x1408xf32>
      %dot_general3A_177 = arith.constant dense<0.000000e+00> : vector<128x2048xf32>
      %dot_general3A_178 = tpu.matmul %get3A_176, %get3A_165, %dot_general3A_177 {dimension_numbers = #tpu.dot_dimension_numbers<[1], [1], [0], [0], [0, 0, 1, 0], [], []>, transpose_lhs_hint = false} : vector<128x1408xf32>, vector<2048x1408xf32>, vector<128x2048xf32> -> vector<128x2048xf32>
      %swap3A_179 = arith.constant 128 : index
      %swap3A_180 = arith.constant 0 : index
      %swap3A_181 = vector.load %arg5[%swap3A_179, %swap3A_180] : memref<1024x2048xf32, #tpu.memory_space<vmem>>, vector<128x2048xf32>
      tpu.vector_store %arg5[%swap3A_179, %swap3A_180], %dot_general3A_178 {strides = array<i32>} : memref<1024x2048xf32, #tpu.memory_space<vmem>>, vector<128x2048xf32>,
      %get3A_182 = arith.constant 256 : index
      %get3A_183 = arith.constant 0 : index
      %get3A_184 = vector.load %arg6[%get3A_182, %get3A_183] : memref<1024x1408xf32, #tpu.memory_space<vmem>>, vector<128x1408xf32>
      %dot_general3A_185 = arith.constant dense<0.000000e+00> : vector<128x2048xf32>
      %dot_general3A_186 = tpu.matmul %get3A_184, %get3A_165, %dot_general3A_185 {dimension_numbers = #tpu.dot_dimension_numbers<[1], [1], [0], [0], [0, 0, 1, 0], [], []>, transpose_lhs_hint = false} : vector<128x1408xf32>, vector<2048x1408xf32>, vector<128x2048xf32> -> vector<128x2048xf32>
      %swap3A_187 = arith.constant 256 : index
      %swap3A_188 = arith.constant 0 : index
      %swap3A_189 = vector.load %arg5[%swap3A_187, %swap3A_188] : memref<1024x2048xf32, #tpu.memory_space<vmem>>, vector<128x2048xf32>
      tpu.vector_store %arg5[%swap3A_187, %swap3A_188], %dot_general3A_186 {strides = array<i32>} : memref<1024x2048xf32, #tpu.memory_space<vmem>>, vector<128x2048xf32>,
      %get3A_190 = arith.constant 384 : index
      %get3A_191 = arith.constant 0 : index
      %get3A_192 = vector.load %arg6[%get3A_190, %get3A_191] : memref<1024x1408xf32, #tpu.memory_space<vmem>>, vector<128x1408xf32>
      %dot_general3A_193 = arith.constant dense<0.000000e+00> : vector<128x2048xf32>
      %dot_general3A_194 = tpu.matmul %get3A_192, %get3A_165, %dot_general3A_193 {dimension_numbers = #tpu.dot_dimension_numbers<[1], [1], [0], [0], [0, 0, 1, 0], [], []>, transpose_lhs_hint = false} : vector<128x1408xf32>, vector<2048x1408xf32>, vector<128x2048xf32> -> vector<128x2048xf32>
      %swap3A_195 = arith.constant 384 : index
      %swap3A_196 = arith.constant 0 : index
      %swap3A_197 = vector.load %arg5[%swap3A_195, %swap3A_196] : memref<1024x2048xf32, #tpu.memory_space<vmem>>, vector<128x2048xf32>
      tpu.vector_store %arg5[%swap3A_195, %swap3A_196], %dot_general3A_194 {strides = array<i32>} : memref<1024x2048xf32, #tpu.memory_space<vmem>>, vector<128x2048xf32>,
      %get3A_198 = arith.constant 512 : index
      %get3A_199 = arith.constant 0 : index
      %get3A_200 = vector.load %arg6[%get3A_198, %get3A_199] : memref<1024x1408xf32, #tpu.memory_space<vmem>>, vector<128x1408xf32>
      %dot_general3A_201 = arith.constant dense<0.000000e+00> : vector<128x2048xf32>
      %dot_general3A_202 = tpu.matmul %get3A_200, %get3A_165, %dot_general3A_201 {dimension_numbers = #tpu.dot_dimension_numbers<[1], [1], [0], [0], [0, 0, 1, 0], [], []>, transpose_lhs_hint = false} : vector<128x1408xf32>, vector<2048x1408xf32>, vector<128x2048xf32> -> vector<128x2048xf32>
      %swap3A_203 = arith.constant 512 : index
      %swap3A_204 = arith.constant 0 : index
      %swap3A_205 = vector.load %arg5[%swap3A_203, %swap3A_204] : memref<1024x2048xf32, #tpu.memory_space<vmem>>, vector<128x2048xf32>
      tpu.vector_store %arg5[%swap3A_203, %swap3A_204], %dot_general3A_202 {strides = array<i32>} : memref<1024x2048xf32, #tpu.memory_space<vmem>>, vector<128x2048xf32>,
      %get3A_206 = arith.constant 640 : index
      %get3A_207 = arith.constant 0 : index
      %get3A_208 = vector.load %arg6[%get3A_206, %get3A_207] : memref<1024x1408xf32, #tpu.memory_space<vmem>>, vector<128x1408xf32>
      %dot_general3A_209 = arith.constant dense<0.000000e+00> : vector<128x2048xf32>
      %dot_general3A_210 = tpu.matmul %get3A_208, %get3A_165, %dot_general3A_209 {dimension_numbers = #tpu.dot_dimension_numbers<[1], [1], [0], [0], [0, 0, 1, 0], [], []>, transpose_lhs_hint = false} : vector<128x1408xf32>, vector<2048x1408xf32>, vector<128x2048xf32> -> vector<128x2048xf32>
      %swap3A_211 = arith.constant 640 : index
      %swap3A_212 = arith.constant 0 : index
      %swap3A_213 = vector.load %arg5[%swap3A_211, %swap3A_212] : memref<1024x2048xf32, #tpu.memory_space<vmem>>, vector<128x2048xf32>
      tpu.vector_store %arg5[%swap3A_211, %swap3A_212], %dot_general3A_210 {strides = array<i32>} : memref<1024x2048xf32, #tpu.memory_space<vmem>>, vector<128x2048xf32>,
      %get3A_214 = arith.constant 768 : index
      %get3A_215 = arith.constant 0 : index
      %get3A_216 = vector.load %arg6[%get3A_214, %get3A_215] : memref<1024x1408xf32, #tpu.memory_space<vmem>>, vector<128x1408xf32>
      %dot_general3A_217 = arith.constant dense<0.000000e+00> : vector<128x2048xf32>
      %dot_general3A_218 = tpu.matmul %get3A_216, %get3A_165, %dot_general3A_217 {dimension_numbers = #tpu.dot_dimension_numbers<[1], [1], [0], [0], [0, 0, 1, 0], [], []>, transpose_lhs_hint = false} : vector<128x1408xf32>, vector<2048x1408xf32>, vector<128x2048xf32> -> vector<128x2048xf32>
      %swap3A_219 = arith.constant 768 : index
      %swap3A_220 = arith.constant 0 : index
      %swap3A_221 = vector.load %arg5[%swap3A_219, %swap3A_220] : memref<1024x2048xf32, #tpu.memory_space<vmem>>, vector<128x2048xf32>
      tpu.vector_store %arg5[%swap3A_219, %swap3A_220], %dot_general3A_218 {strides = array<i32>} : memref<1024x2048xf32, #tpu.memory_space<vmem>>, vector<128x2048xf32>,
      %get3A_222 = arith.constant 896 : index
      %get3A_223 = arith.constant 0 : index
      %get3A_224 = vector.load %arg6[%get3A_222, %get3A_223] : memref<1024x1408xf32, #tpu.memory_space<vmem>>, vector<128x1408xf32>
      %dot_general3A_225 = arith.constant dense<0.000000e+00> : vector<128x2048xf32>
      %dot_general3A_226 = tpu.matmul %get3A_224, %get3A_165, %dot_general3A_225 {dimension_numbers = #tpu.dot_dimension_numbers<[1], [1], [0], [0], [0, 0, 1, 0], [], []>, transpose_lhs_hint = false} : vector<128x1408xf32>, vector<2048x1408xf32>, vector<128x2048xf32> -> vector<128x2048xf32>
      %swap3A_227 = arith.constant 896 : index
      %swap3A_228 = arith.constant 0 : index
      %swap3A_229 = vector.load %arg5[%swap3A_227, %swap3A_228] : memref<1024x2048xf32, #tpu.memory_space<vmem>>, vector<128x2048xf32>
      tpu.vector_store %arg5[%swap3A_227, %swap3A_228], %dot_general3A_226 {strides = array<i32>} : memref<1024x2048xf32, #tpu.memory_space<vmem>>, vector<128x2048xf32>,
    } else {
    }
    return
  }
  func.func @transform_0(%arg0: i32) -> (i32, i32) {
    %c1_i32 = arith.constant 1 : i32
    %c0_i32 = arith.constant 0 : i32
    %c0_i32_0 = arith.constant 0 : i32
    return %c1_i32, %c0_i32 : i32, i32
  }
  func.func @transform_1(%arg0: i32) -> (i32, i32, i32, i32) {
    %c0_i32 = arith.constant 0 : i32
    %c0_i32_0 = arith.constant 0 : i32
    %c0_i32_1 = arith.constant 0 : i32
    %c0_i32_2 = arith.constant 0 : i32
    return %c0_i32, %c0_i32_0, %arg0, %c0_i32_1 : i32, i32, i32, i32
  }
  func.func @transform_2(%arg0: i32) -> (i32, i32, i32) {
    %c0_i32 = arith.constant 0 : i32
    %c0_i32_0 = arith.constant 0 : i32
    %c0_i32_1 = arith.constant 0 : i32
    %c0_i32_2 = arith.constant 0 : i32
    return %c0_i32, %c0_i32_0, %c0_i32_1 : i32, i32, i32
  }
  func.func @transform_3(%arg0: i32) -> (i32, i32) {
    %c0_i32 = arith.constant 0 : i32
    %c0_i32_0 = arith.constant 0 : i32
    %c0_i32_1 = arith.constant 0 : i32
    return %c0_i32, %c0_i32_0 : i32, i32
  }
  func.func @transform_4(%arg0: i32) -> (i32, i32) {
    %c0_i32 = arith.constant 0 : i32
    %c0_i32_0 = arith.constant 0 : i32
    %c0_i32_1 = arith.constant 0 : i32
    return %c0_i32, %c0_i32_0 : i32, i32
  }
}

module attributes {stable_mosaic.version = 14 : i64} {
  func.func @_add_body(%arg0: i32, %arg1: i32, %arg2: memref<512x2048xf32, #tpu.memory_space<vmem>>, %arg3: memref<512x2048xf32, #tpu.memory_space<vmem>>, %arg4: memref<512x2048xf32, #tpu.memory_space<vmem>>, %arg5: memref<512x2048xf32, #tpu.memory_space<vmem>>) attributes {dimension_semantics = [#tpu.dimension_semantics<arbitrary>, #tpu.dimension_semantics<arbitrary>], iteration_bounds = array<i64: 2, 2>, scalar_prefetch = 0 : i64, scratch_operands = 0 : i64, tpu.core_type = #tpu.core_type<tc>, window_params = [{transform_indices = @transform_0, window_bounds = array<i64: 512, 2048>}, {transform_indices = @transform_1, window_bounds = array<i64: 512, 2048>}, {transform_indices = @transform_2, window_bounds = array<i64: 512, 2048>}, {transform_indices = @transform_3, window_bounds = array<i64: 512, 2048>}]} {
    %eq3A = arith.constant 0 : i32
    %eq3A_0 = arith.cmpi eq, %arg0, %eq3A : i32
    %convert_element_type3A = arith.extui %eq3A_0 : i1 to i32
    %cond3A = arith.constant 0 : i32
    %cond3A_1 = arith.cmpi ne, %convert_element_type3A, %cond3A : i32
    scf.if %cond3A_1 {
      %get3A = arith.constant 0 : index
      %get3A_7 = arith.constant 0 : index
      %get3A_8 = vector.load %arg2[%get3A, %get3A_7] : memref<512x2048xf32, #tpu.memory_space<vmem>>, vector<512x2048xf32>
      %get3A_9 = arith.constant 0 : index
      %get3A_10 = arith.constant 0 : index
      %get3A_11 = vector.load %arg3[%get3A_9, %get3A_10] : memref<512x2048xf32, #tpu.memory_space<vmem>>, vector<512x2048xf32>
      %add3A = arith.addf %get3A_8, %get3A_11 : vector<512x2048xf32>
      %swap3A = arith.constant 0 : index
      %swap3A_12 = arith.constant 0 : index
      %swap3A_13 = vector.load %arg5[%swap3A, %swap3A_12] : memref<512x2048xf32, #tpu.memory_space<vmem>>, vector<512x2048xf32>
      tpu.vector_store %arg5[%swap3A, %swap3A_12], %add3A {strides = array<i32>} : memref<512x2048xf32, #tpu.memory_space<vmem>>, vector<512x2048xf32>,
    } else {
    }
    %eq3A_2 = arith.constant 1 : i32
    %eq3A_3 = arith.cmpi eq, %arg0, %eq3A_2 : i32
    %convert_element_type3A_4 = arith.extui %eq3A_3 : i1 to i32
    %cond3A_5 = arith.constant 0 : i32
    %cond3A_6 = arith.cmpi ne, %convert_element_type3A_4, %cond3A_5 : i32
    scf.if %cond3A_6 {
      %get3A = arith.constant 0 : index
      %get3A_7 = arith.constant 0 : index
      %get3A_8 = vector.load %arg2[%get3A, %get3A_7] : memref<512x2048xf32, #tpu.memory_space<vmem>>, vector<512x2048xf32>
      %get3A_9 = arith.constant 0 : index
      %get3A_10 = arith.constant 0 : index
      %get3A_11 = vector.load %arg4[%get3A_9, %get3A_10] : memref<512x2048xf32, #tpu.memory_space<vmem>>, vector<512x2048xf32>
      %add3A = arith.addf %get3A_8, %get3A_11 : vector<512x2048xf32>
      %swap3A = arith.constant 0 : index
      %swap3A_12 = arith.constant 0 : index
      %swap3A_13 = vector.load %arg5[%swap3A, %swap3A_12] : memref<512x2048xf32, #tpu.memory_space<vmem>>, vector<512x2048xf32>
      tpu.vector_store %arg5[%swap3A, %swap3A_12], %add3A {strides = array<i32>} : memref<512x2048xf32, #tpu.memory_space<vmem>>, vector<512x2048xf32>,
    } else {
    }
    return
  }
  func.func @transform_0(%arg0: i32, %arg1: i32) -> (i32, i32) {
    %mul3A = arith.constant 2 : i32
    %mul3A_0 = arith.muli %mul3A, %arg0 : i32
    %add3A = arith.addi %mul3A_0, %arg1 : i32
    %c0_i32 = arith.constant 0 : i32
    %c0_i32_1 = arith.constant 0 : i32
    return %add3A, %c0_i32 : i32, i32
  }
  func.func @transform_1(%arg0: i32, %arg1: i32) -> (i32, i32) {
    %c0_i32 = arith.constant 0 : i32
    %c0_i32_0 = arith.constant 0 : i32
    return %arg1, %c0_i32 : i32, i32
  }
  func.func @transform_2(%arg0: i32, %arg1: i32) -> (i32, i32) {
    %c0_i32 = arith.constant 0 : i32
    %c0_i32_0 = arith.constant 0 : i32
    return %arg1, %c0_i32 : i32, i32
  }
  func.func @transform_3(%arg0: i32, %arg1: i32) -> (i32, i32) {
    %mul3A = arith.constant 2 : i32
    %mul3A_0 = arith.muli %mul3A, %arg0 : i32
    %add3A = arith.addi %mul3A_0, %arg1 : i32
    %c0_i32 = arith.constant 0 : i32
    %c0_i32_1 = arith.constant 0 : i32
    return %add3A, %c0_i32 : i32, i32
  }
}

</mosaic_0001>

<sc_bundles>
// kernel: kernel.12.cloned.1.call-start
scs
__scs_entry_jumppad:
0x0: {  	(pc) =	sbr.rel $0x88, $3  }
0x1: {  	(tag) =	ssettag $0x0;
	lr =	simm.s32 $0x1  }
0x2: {  	[smem:$0x3F9A] =	sst lr;
	_ =	strace $0xD0000000  }
0x3: {  	_ = 	snop  }
0x4: {  	_ = 	snop  }
0x5: {  	_ = 	snop  }
0x6: {  	_ = 	snop  }
0x7: {  	_ = 	snop  }
__scs_overlays_trampoline_lowered:
0x8: {  	[smem:$0x3FA9] =	sst s0  }
0x9: {  	[smem:$0x3FAA] =	sst s1  }
0xa: {  	[smem:$0x3FAB] =	sst s2  }
0xb: {  	[smem:$0x3FAC] =	sst s3  }
0xc: {  	[smem:$0x3FAD] =	sst s4  }
0xd: {  	[smem:$0x3FAE] =	sst s5  }
0xe: {  	[smem:$0x3FAF] =	sst s6  }
0xf: {  	[smem:$0x3FB0] =	sst s7  }
0x10: {  	[smem:$0x3FB1] =	sst s8  }
0x11: {  	[smem:$0x3FB2] =	sst s9;
	s0 =	simm.s32 @!p0 $0x0  }
0x12: {  	s1 =	sld [smem:$0x3F98];
	s0 =	simm.s32 @p0 $0x1  }
0x13: {  	[smem:$0x3FB3] =	sst s0;
	s0 =	simm.s32 @!p1 $0x0  }
0x14: {  	s2 =	sld [smem:$0x3F97];
	s0 =	simm.s32 @p1 $0x1  }
0x15: {  	[smem:$0x3FB4] =	sst s0;
	s0 =	simm.s32 @!p2 $0x0  }
0x16: {  	s3 =	sld [smem:$0x3FDB];
	s0 =	simm.s32 @p2 $0x1  }
0x17: {  	s4 =	simm.s32 $0x1BF5;
	[smem:$0x3FB6] =	sst s0  }
0x18: {  	s0 =	sld [smem:$0x3F99];
	_ =	swait.ge [sflag:s4], $0x0  }
0x19: {  	s7 =	sld [smem:$0x3F9A]  }
0x1a: {  	s8 =	sadd.s32 $0xFFFFE003, lr  }
0x1b: {  	s9 =	sadd.s32 $0xFFFFFEF7, lr;
	s5 =	simm.s32 $0xFFFFFFFF;
	p2 =	slt.u32 s8, $0xFFFFF086  }
0x1c: {  	p1 =	slt.u32 s9, $0xF7A;
	s5 =	simm.s32 @!p2 $0x0  }
0x1d: {  	s5 =	simm.s32 @p1 $0x1;
	p0 =	seq.s32 s7, s2  }
0x1e: {  	s7 =	smul.u32 @!p0 $0xF7A, s2;
	p2 =	seq.s32 @!p0 s5, $0x0  }
0x1f: {  	s9 =	smul.u32 $0xF7A, s1;
	s8 =	simm.s32 @!p0 $0x1BF5;
	p2 =	por !p2, p0  }
0x20: {  	[sflag:s8] =	ssyncset.s32 @!p0 $0xFFFFF086;
	s6 =	sadd.s32 @!p0 s3, s7;
	s7 =	simm.s32 @!p0 $0x108  }
0x21: {  	s3 =	sadd.s32 s3, s9;
	s6 =	sadd.s32 @!p0 $0x88, s6;
	s7 =	simm.s32 @p2 $0x1082  }
0x22: {  	[simem:s7], [sflag:s8] =	dma.local @!p0 [hbm:s6], $0xF7A  }
0x23: {  	s9 =	sor.u32 $0xD0000000, s2;
	s6 =	simm.s32 $0x108;
	_ =	swait.ge @!p0 [sflag:s8], $0x0  }
0x24: {  	s3 =	sadd.s32 $0x88, s3;
	s6 =	simm.s32 @!p1 $0x1082;
	[sflag:s4] =	ssyncset.s32 $0xFFFFF086  }
0x25: {  	[simem:s6], [sflag:s4] =	dma.local [hbm:s3], $0xF7A  }
0x26: {  	[smem:$0x3F9A] =	sst s1;
	(tag) =	ssettag s2;
	_ =	strace s9  }
0x27: {  	s1 =	sld [smem:$0x3FAA]  }
0x28: {  	s2 =	sld [smem:$0x3FAB]  }
0x29: {  	s4 =	sld [smem:$0x3FAD]  }
0x2a: {  	p0 =	seq.s32 s5, $0x0;
	s5 =	sld [smem:$0x3FAE]  }
0x2b: {  	s6 =	sld [smem:$0x3FAF]  }
0x2c: {  	s7 =	sld [smem:$0x3FB0]  }
0x2d: {  	s3 =	simm.s32 $0x108;
	s8 =	sld [smem:$0x3FB1]  }
0x2e: {  	s3 =	simm.s32 @!p0 $0x1082;
	s9 =	sld [smem:$0x3FB2]  }
0x2f: {  	lr =	sadd.s32 s0, s3;
	s0 =	sld [smem:$0x3FA9]  }
0x30: {  	s3 =	sld [smem:$0x3FAC]  }
0x31: {  	[smem:$0x3FB5] =	sst s10  }
0x32: {  	s10 =	sld [smem:$0x3FB3];
	_ =	sdelay $0x3  }
0x33: {  	p0 =	seq.s32 s10, $0x1;
	s10 =	sld [smem:$0x3FB5];
	_ =	sdelay $0x3  }
0x34: {  	[smem:$0x3FB5] =	sst s10  }
0x35: {  	s10 =	sld [smem:$0x3FB4];
	_ =	sdelay $0x3  }
0x36: {  	p1 =	seq.s32 s10, $0x1;
	s10 =	sld [smem:$0x3FB5];
	_ =	sdelay $0x3  }
0x37: {  	[smem:$0x3FB5] =	sst s10  }
0x38: {  	s10 =	sld [smem:$0x3FB6]  }
0x39: {  	_ = 	snop;
	(pc) =	sbr.ind lr, $3  }
0x3a: {  	_ = 	snop  }
0x3b: {  	_ = 	snop  }
0x3c: {  	p2 =	seq.s32 s10, $0x1;
	s10 =	sld [smem:$0x3FB5]  }
0x3d: {  	_ =	shalt  }
0x3e: {  	_ =	shalt  }
0x3f: {  	_ =	shalt  }
0x40: {  	_ =	shalt  }
0x41: {  	_ =	shalt  }
0x42: {  	_ =	shalt  }
0x43: {  	_ =	shalt  }
0x44: {  	_ =	shalt  }
0x45: {  	_ =	shalt  }
0x46: {  	_ =	shalt  }
0x47: {  	_ =	shalt  }
0x48: {  	_ =	shalt  }
0x49: {  	_ =	shalt  }
0x4a: {  	_ =	shalt  }
0x4b: {  	_ =	shalt  }
0x4c: {  	_ =	shalt  }
0x4d: {  	_ =	shalt  }
0x4e: {  	_ =	shalt  }
0x4f: {  	_ =	shalt  }
0x50: {  	_ =	shalt  }
0x51: {  	_ =	shalt  }
0x52: {  	_ =	shalt  }
0x53: {  	_ =	shalt  }
0x54: {  	_ =	shalt  }
0x55: {  	_ =	shalt  }
0x56: {  	_ =	shalt  }
0x57: {  	_ =	shalt  }
0x58: {  	_ =	shalt  }
0x59: {  	_ =	shalt  }
0x5a: {  	_ =	shalt  }
0x5b: {  	_ =	shalt  }
0x5c: {  	_ =	shalt  }
0x5d: {  	_ =	shalt  }
0x5e: {  	_ =	shalt  }
0x5f: {  	_ =	shalt  }
0x60: {  	_ =	shalt  }
0x61: {  	_ =	shalt  }
0x62: {  	_ =	shalt  }
0x63: {  	_ =	shalt  }
0x64: {  	_ =	shalt  }
0x65: {  	_ =	shalt  }
0x66: {  	_ =	shalt  }
0x67: {  	_ =	shalt  }
0x68: {  	_ =	shalt  }
0x69: {  	_ =	shalt  }
0x6a: {  	_ =	shalt  }
0x6b: {  	_ =	shalt  }
0x6c: {  	_ =	shalt  }
0x6d: {  	_ =	shalt  }
0x6e: {  	_ =	shalt  }
0x6f: {  	_ =	shalt  }
0x70: {  	_ =	shalt  }
0x71: {  	_ =	shalt  }
0x72: {  	_ =	shalt  }
0x73: {  	_ =	shalt  }
0x74: {  	_ =	shalt  }
0x75: {  	_ =	shalt  }
0x76: {  	_ =	shalt  }
0x77: {  	_ =	shalt  }
0x78: {  	_ =	shalt  }
0x79: {  	_ =	shalt  }
0x7a: {  	_ =	shalt  }
0x7b: {  	_ =	shalt  }
0x7c: {  	_ =	shalt  }
0x7d: {  	_ =	shalt  }
0x7e: {  	_ =	shalt  }
0x7f: {  	_ =	shalt  }
0x80: {  	_ =	shalt  }
0x81: {  	_ =	shalt  }
0x82: {  	_ =	shalt  }
0x83: {  	_ =	shalt  }
0x84: {  	_ =	shalt  }
0x85: {  	_ =	shalt  }
0x86: {  	_ =	shalt  }
0x87: {  	_ =	shalt  }
.Lfunc_end0:
.L_simem_size_0:
called_computation.1_lowered:
.L_overlay_start_0:
0x88: {  	s2 =	sld [smem:$0x3FD9]  }
0x89: {  	s3 =	sld [smem:$0x3FFE];
	_ =	sdelay $0x1  }
0x8a: {  	s1 =	srdreg.scid  }
0x8b: {  	s0 =	sand.u32 $0x1, s1  }
0x8c: {  	s16 =	sshll.u32 s0, $0xA;
	s2 =	sadd.s32 s3, s2  }
0x8d: {  	s2 =	sadd.s32 s2, s16  }
0x8e: {  	[smem:$0x3FC1] =	sst s2  }
0x8f: {  	_ = 	snop  }
0x90: {  	(tm) =	ssettm $0x1  }
0x91: {  	s17 =	sld [smem:$0x3FFB];
	_ =	sdelay $0x3  }
0x92: {  	_ =	strace s17  }
0x93: {  	s2 =	sld [smem:$0x3FFC];
	_ =	sdelay $0x3  }
0x94: {  	_ =	strace s2  }
0x95: {  	s2 =	sld [smem:$0x3FFD];
	_ =	sdelay $0x3  }
0x96: {  	_ =	strace s2  }
0x97: {  	_ =	strace $0x8FFFFFFF  }
0x98: {  	s18 =	sld [smem:$0x3FDB];
	_ =	sdelay $0x1  }
0x99: {  	s19 =	simm.s32 $_scs_section_size  }
0x9a: {  	s4 =	simm.s32 $_size__tile_overlayer_lowered;
	s5 =	simm.s32 $_tile_overlayer_lowered  }
0x9b: {  	s22 =	simm.s32 $0x1BFF;
	s21 =	sshll.u32 s5, $0x1;
	s2 =	sadd.s32 s19, s18  }
0x9c: {  	s6 =	simm.s32 $0x0;
	s20 =	sshll.u32 s4, $0x1;
	s4 =	sadd.s32 s21, s2  }
0x9d: {  	[timem:s6], [sflag:s22] =	dma.local [hbm:s4], s20  }
0x9e: {  	_ =	swait.ge [sflag:s22], s20  }
0x9f: {  	s3 =	ssub.s32 $0x0, s20;
	[sflag:s22] =	ssyncset.done $0x0  }
0xa0: {  	[sflag:s22] =	ssyncadd.s32 s3;
	_ =	sdelay $0x1  }
0xa1: {  	s23 =	simm.s32 $0x1B8B  }
0xa2: {  	_ =	swait.ge [sflag:s23], $0x1  }
0xa3: {  	[sflag:s23] =	ssyncset.done $0x0  }
0xa4: {  	s25 =	simm.s32 $0x1B8E;
	s24 =	sld [smem:$0x3FFE];
	[sflag:s23] =	ssyncadd.s32 $0xFFFFFFFF  }
0xa5: {  	s26 =	simm.s32 $execute0_lowered;
	[smem:$0x3FD2] =	sst s25  }
0xa6: {  	s4 =	sshll.u32 s26, $0x1;
	_ =	strace $0x80000049;
	[dreg:$0x1] =	wrdreg $0xFFFFFFFF  }
0xa7: {  	s28 =	simm.s32 $_size_execute0_lowered;
	s2 =	sadd.s32 s2, s4;
	[dreg:$0x0] =	wrdreg $0x0  }
0xa8: {  	s4 =	sshll.u32 s28, $0x1;
	[dreg:$0x2] =	wrdreg s2  }
0xa9: {  	[dreg:$0x3] =	wrdreg s4  }
0xaa: {  	[dreg:$0x4] =	wrdreg $0xC0  }
0xab: {  	_ =	task [dreg:s6], $0x5FFFF  }
0xac: {  	[dreg:$0x1] =	wrdreg $0xFFFFFFFF  }
0xad: {  	[dreg:$0x0] =	wrdreg $0x60  }
0xae: {  	[dreg:$0x2] =	wrdreg s24  }
0xaf: {  	[dreg:$0x3] =	wrdreg $0x9  }
0xb0: {  	_ =	task.clear_ibuf [dreg:s6], $0x4FFFF;
	_ =	strace $0x90000049  }
0xb1: {  	s29 =	simm.s32 $0x9;
	_ =	strace $0x8000004B  }
0xb2: {  	_ =	swait.ge [sflag:s29], $0x1  }
0xb3: {  	[sflag:s29] =	ssyncadd.s32 $0xFFFFFFFF  }
0xb4: {  	_ =	strace $0x9000004B  }
0xb5: {  	_ =	sfence  }
0xb6: {  	s30 =	sld [smem:$0x0];
	_ =	sdelay $0x2  }
0xb7: {  	s31 =	sshll.u32 s1, $0xD;
	s1 =	sshrl.u32 s1, $0x2  }
0xb8: {  	s3 =	sand.u32 $0x4000, s31;
	s1 =	sadd.s32 s1, s30  }
0xb9: {  	s0 =	sor.u32 s3, s0;
	s1 =	sshll.u32 s1, $0x11  }
0xba: {  	s0 =	sor.u32 s1, s0  }
0xbb: {  	s0 =	sadd.s32 $0x8F2B, s0  }
0xbc: {  	[sflag:s0] =	ssyncadd.remote.s32 $0x1  }
0xbd: {  	_ =	sfence.sel $0xFFFF  }
0xbe: {  	[dreg:$0x0] =	wrdreg $0xFFFFFFFF;
	(pc) =	sbr.abs _section_cstart, $3  }
0xbf: {  	[dreg:$0x1] =	wrdreg $0xFFFFFFFF  }
0xc0: {  	_ =	task.clear_ibuf [dreg:s6], $0x2FFFF;
	_ =	strace $0x9FFFFFFF  }
0xc1: {  	(tm) =	ssettm $0x7FFFFFFF  }
tec
execute0_lowered:
.L_overlay_start_1:
0x0: {  	(tag) =	ssettag $0x1  }
0x1: {  	s0 =	rddreg [dreg:$0x0]  }
0x2: {  	s1 =	simm.s32 $0x0;
	s26 =	srdreg.scid;
	s8 =	stileid.u32  }
0x3: {  	s16 =	simm.s32 $0x2;
	s17 =	simm.s32 $0x80;
	s29 =	simm.s32 $0x5100  }
0x4: {  	s30 =	simm.s32 $0x5900;
	s31 =	simm.s32 $0x6100;
	s15 =	simm.s32 $0x7900  }
0x5: {  	s18 =	simm.s32 $0x8100;
	[smem:$0x7FF] =	sst s1;
	s2 =	sadd.s32 $0x221E00, s0  }
0x6: {  	s20 =	simm.s32 $0x0;
	s4 =	sadd.s32 $0x221A00, s0;
	s5 =	sadd.s32 $0x221C00, s0  }
0x7: {  	v2 =	vlaneseq.u32;
	vm0 =	vmmov $0xffff;
	v3 =	vimm.s32 $0x1;
	s6 =	sadd.s32 $0x1600, s0;
	s10 =	sshll.u32 s8, $0x7;
	s8 =	sadd.s32 $0x222000, s0  }
0x8: {  	v4 =	vimm.s32 $0x3;
	v5 =	vimm.s32 $0x2;
	v6 =	vimm.s32 $0x5;
	s1 =	sand.u32 $0x1, s26;
	s9 =	sadd.s32 $0x222100, s0;
	s11 =	sadd.s32 $0x222200, s0  }
0x9: {  	v7 =	vimm.s32 $0x4;
	v8 =	vimm.s32 $0x7;
	v9 =	vimm.s32 $0x6;
	s12 =	sadd.s32 $0x222300, s0;
	s13 =	sadd.s32 $0x222400, s0;
	s3 =	ssub.s32 $0x2, s1  }
0xa: {  	v10 =	vimm.s32 $0x9;
	v11 =	vimm.s32 $0x8;
	v12 =	vimm.s32 $0xB;
	s14 =	sadd.s32 $0x222500, s0;
	s1 =	sshll.u32 s1, $0x6;
	s7 =	sshrl.u32 s3, $0x1  }
0xb: {  	v13 =	vimm.s32 $0xA;
	v14 =	vimm.s32 $0xD;
	v15 =	vimm.s32 $0xC;
	_ =	strace $0x8000004A;
	s10 =	sor.u32 s1, s10;
	s3 =	ssub.s32 s3, s7  }
0xc: {  	v16 =	vimm.s32 $0xF;
	v17 =	vimm.s32 $0xE;
	v1 =	vshrl.u32 v2, $0x3;
	s1 =	simm.s32 $0x1;
	s7 =	sadd.s32 $0x221F00, s0;
	s28 =	smax.u32 s3, $0x1  }
0xd: {  	v0 =	vand.u32 $0x7, v2;
	v2 =	vor.u32 $0x8, v2;
	v1 =	vmul.u32 $0x8, v1;
	s0 =	simm.s32 $0x6900;
	s3 =	simm.s32 $0x7100;
	[dreg:$0x2] =	wrdreg s28  }
.LBB2_1:
0xe: {  	[dreg:$0x3] =	wrdreg s20;
	s19 =	simm.s32 $0x0  }
.LBB2_2:
0xf: {  	s20 =	sshll.u32 s19, $0x3  }
0x10: {  	s20 =	sadd.s32 s10, s20  }
0x11: {  	s21 =	sshrl.u32 s20, $0x2  }
0x12: {  	s23 =	simm.s32 $0x0;
	s22 =	sadd.s32 s4, s21  }
0x13: {  	[tilespmem:s23], [sflag:$0x2] =	stream.linear.gather [hbm4b:s22+s23], $0x10, $0x38;
	[tilespmem:$0xC100] =	vst v63  }
0x14: {  	_ =	swait.ge [sflag:s16], $0x10  }
0x15: {  	[sflag:s16] =	ssyncset.done $0x0  }
0x16: {  	s21 =	sadd.s32 s5, s21;
	[sflag:s16] =	ssyncadd.s32 $0xFFFFFFF0  }
0x17: {  	[tilespmem:s17], [sflag:$0x2] =	stream.linear.gather [hbm4b:s21+s23], $0x10, $0x38;
	[tilespmem:$0xC100] =	vst v63  }
0x18: {  	_ =	swait.ge [sflag:s16], $0x10  }
0x19: {  	[sflag:s16] =	ssyncset.done $0x0  }
0x1a: {  	[sflag:s16] =	ssyncadd.s32 $0xFFFFFFF0  }
0x1b: {  	v18 =	vld [tilespmem:$0x0];
	_ =	sdelay $0x4  }
0x1c: {  	v19 =	vshll.u32 v18, $0x4  }
0x1d: {  	v18 =	vand.u32 $0x7, v18;
	v19 =	vand.u32 $0xFFFFFF80, v19  }
0x1e: {  	v18 =	vor.u32 v18, v19  }
0x1f: {  	v19 =	vperm.xlane v18, v0;
	_ =	sdelay $0x1  }
0x20: {  	v19 =	vadd.s32 v1, v19;
	_ =	sdelay $0x3  }
0x21: {  	s24 =	simm.s32 $0x100  }
0x22: {  	[tilespmem:s24], [sflag:$0x1] =	stream.indirect_vreg.gather [hbm4b:s2+s23], $0x80, v19, vm0, $0xb8;
	[tilespmem:$0xC100] =	vst v63  }
0x23: {  	s25 =	simm.s32 $0x900  }
0x24: {  	[tilespmem:s25], [sflag:$0x1] =	stream.indirect_vreg.gather [hbm4b:s7+s23], $0x80, v19, vm0, $0xb8;
	[tilespmem:$0xC100] =	vst v63  }
0x25: {  	s26 =	simm.s32 $0x1100  }
0x26: {  	[tilespmem:s26], [sflag:$0x1] =	stream.indirect_vreg.gather [hbm4b:s8+s23], $0x80, v19, vm0, $0xb8;
	[tilespmem:$0xC100] =	vst v63  }
0x27: {  	s28 =	simm.s32 $0x1900  }
0x28: {  	[tilespmem:s28], [sflag:$0x1] =	stream.indirect_vreg.gather [hbm4b:s9+s23], $0x80, v19, vm0, $0xb8;
	[tilespmem:$0xC100] =	vst v63  }
0x29: {  	s22 =	simm.s32 $0x2100  }
0x2a: {  	[tilespmem:s22], [sflag:$0x1] =	stream.indirect_vreg.gather [hbm4b:s11+s23], $0x80, v19, vm0, $0xb8;
	[tilespmem:$0xC100] =	vst v63  }
0x2b: {  	v18 =	vperm.xlane v18, v2;
	s24 =	simm.s32 $0x2900  }
0x2c: {  	[tilespmem:s24], [sflag:$0x1] =	stream.indirect_vreg.gather [hbm4b:s12+s23], $0x80, v19, vm0, $0xb8;
	[tilespmem:$0xC100] =	vst v63  }
0x2d: {  	v18 =	vadd.s32 v1, v18;
	s25 =	simm.s32 $0x3100  }
0x2e: {  	[tilespmem:s25], [sflag:$0x1] =	stream.indirect_vreg.gather [hbm4b:s13+s23], $0x80, v19, vm0, $0xb8;
	[tilespmem:$0xC100] =	vst v63  }
0x2f: {  	s26 =	simm.s32 $0x3900  }
0x30: {  	[tilespmem:s26], [sflag:$0x1] =	stream.indirect_vreg.gather [hbm4b:s14+s23], $0x80, v19, vm0, $0xb8;
	[tilespmem:$0xC100] =	vst v63  }
0x31: {  	s28 =	simm.s32 $0x4100  }
0x32: {  	[tilespmem:s28], [sflag:$0x1] =	stream.indirect_vreg.gather [hbm4b:s2+s23], $0x80, v18, vm0, $0xb8;
	[tilespmem:$0xC100] =	vst v63  }
0x33: {  	s22 =	simm.s32 $0x4900  }
0x34: {  	[tilespmem:s22], [sflag:$0x1] =	stream.indirect_vreg.gather [hbm4b:s7+s23], $0x80, v18, vm0, $0xb8;
	[tilespmem:$0xC100] =	vst v63  }
0x35: {  	_ = 	snop  }
0x36: {  	[tilespmem:s29], [sflag:$0x1] =	stream.indirect_vreg.gather [hbm4b:s8+s23], $0x80, v18, vm0, $0xb8;
	[tilespmem:$0xC100] =	vst v63  }
0x37: {  	_ = 	snop  }
0x38: {  	[tilespmem:s30], [sflag:$0x1] =	stream.indirect_vreg.gather [hbm4b:s9+s23], $0x80, v18, vm0, $0xb8;
	[tilespmem:$0xC100] =	vst v63  }
0x39: {  	_ = 	snop  }
0x3a: {  	[tilespmem:s31], [sflag:$0x1] =	stream.indirect_vreg.gather [hbm4b:s11+s23], $0x80, v18, vm0, $0xb8;
	[tilespmem:$0xC100] =	vst v63  }
0x3b: {  	_ = 	snop  }
0x3c: {  	[tilespmem:s0], [sflag:$0x1] =	stream.indirect_vreg.gather [hbm4b:s12+s23], $0x80, v18, vm0, $0xb8;
	[tilespmem:$0xC100] =	vst v63  }
0x3d: {  	_ = 	snop  }
0x3e: {  	[tilespmem:s3], [sflag:$0x1] =	stream.indirect_vreg.gather [hbm4b:s13+s23], $0x80, v18, vm0, $0xb8;
	[tilespmem:$0xC100] =	vst v63  }
0x3f: {  	_ = 	snop  }
0x40: {  	[tilespmem:s15], [sflag:$0x1] =	stream.indirect_vreg.gather [hbm4b:s14+s23], $0x80, v18, vm0, $0xb8;
	[tilespmem:$0xC100] =	vst v63  }
0x41: {  	_ =	swait.ge [sflag:s1], $0x8000  }
0x42: {  	[sflag:s1] =	ssyncset.done $0x0  }
0x43: {  	s24 =	sand.u32 $0x70, s23;
	s25 =	sand.u32 $0x3C00, s23;
	[sflag:s1] =	ssyncadd.s32 $0xFFFF8000  }
0x44: {  	s21 =	sor.u32 s24, s25;
	v18 =	vld.idx.msk [tilespmem:v3+s17+$0x0], $0xffff  }
0x45: {  	v20 =	vld [tilespmem:s21+$0x100]  }
0x46: {  	v21 =	vld [tilespmem:s21+$0x180];
	_ =	sdelay $0x1  }
0x47: {  	s26 =	simm.s32 $0x10;
	s28 =	simm.s32 $0x80  }
0x48: {  	s22 =	sand.u32 $0x70, s26;
	s23 =	sand.u32 $0x3C00, s28;
	v19 =	vsub.f32 $1.000000000e+00, v18  }
0x49: {  	s22 =	sor.u32 s22, s23  }
0x4a: {  	v23 =	vmul.f32 v21, v18;
	v21 =	vld [tilespmem:s22+$0x180];
	v22 =	vmul.f32 v20, v19  }
0x4b: {  	v20 =	vld [tilespmem:s22+$0x100]  }
0x4c: {  	s24 =	simm.s32 $0x100;
	s23 =	simm.s32 $0x20;
	v22 =	vadd.f32 v23, v22  }
.LBB2_3:
0x4d: {  	s25 =	sand.u32 $0x70, s23  }
0x4e: {  	s26 =	sand.u32 $0x3C00, s24;
	[tilespmem:s21+$0x8100] =	vst v22;
	s21 =	smov.u32 s22;
	p0 =	sne.s32 s23, $0x7F0  }
.Ltmp0:
0x4f: {  	s23 =	sadd.s32 $0x10, s23;
	s22 =	sor.u32 s25, s26;
	(pc) =	sbr.rel @p0 .LBB2_3-.Ltmp0, $4  }
0x50: {  	v22 =	vmul.f32 v20, v19;
	v20 =	vld [tilespmem:s22+$0x100];
	v23 =	vmul.f32 v21, v18  }
0x51: {  	v21 =	vld [tilespmem:s22+$0x180]  }
0x52: {  	v22 =	vadd.f32 v23, v22  }
0x53: {  	s24 =	sadd.s32 $0x80, s24  }
0x54: {  	_ =	sdelay $0x1  }
0x55: {  	v19 =	vmul.f32 v20, v19;
	v18 =	vmul.f32 v21, v18;
	_ =	sdelay $0x1  }
0x56: {  	v18 =	vadd.f32 v18, v19  }
0x57: {  	[tilespmem:s21+$0x8100] =	vst v22  }
0x58: {  	s25 =	simm.s32 $0x0;
	[tilespmem:s22+$0x8100] =	vst v18  }
0x59: {  	s26 =	sand.u32 $0x70, s25;
	s21 =	sand.u32 $0x3C00, s25;
	v18 =	vld.idx.msk [tilespmem:v4+s17+$0x0], $0xffff  }
0x5a: {  	s21 =	sor.u32 s26, s21;
	v19 =	vld.idx.msk [tilespmem:v5+s17+$0x0], $0xffff  }
0x5b: {  	v20 =	vld [tilespmem:s21+$0x200]  }
0x5c: {  	v21 =	vld [tilespmem:s21+$0x280];
	_ =	sdelay $0x1  }
0x5d: {  	s28 =	simm.s32 $0x10;
	s23 =	simm.s32 $0x80  }
0x5e: {  	s23 =	sand.u32 $0x3C00, s23;
	s22 =	sand.u32 $0x70, s28  }
0x5f: {  	s22 =	sor.u32 s22, s23  }
0x60: {  	v22 =	vmul.f32 v20, v19;
	v23 =	vmul.f32 v21, v18;
	v20 =	vld [tilespmem:s22+$0x200]  }
0x61: {  	v21 =	vld [tilespmem:s22+$0x280]  }
0x62: {  	s24 =	simm.s32 $0x100;
	s23 =	simm.s32 $0x20;
	v22 =	vadd.f32 v23, v22  }
.LBB2_5:
0x63: {  	s25 =	sand.u32 $0x70, s23  }
0x64: {  	s26 =	sand.u32 $0x3C00, s24;
	[tilespmem:s21+$0x8180] =	vst v22;
	s21 =	smov.u32 s22;
	p0 =	sne.s32 s23, $0x7F0  }
.Ltmp1:
0x65: {  	s23 =	sadd.s32 $0x10, s23;
	s22 =	sor.u32 s25, s26;
	(pc) =	sbr.rel @p0 .LBB2_5-.Ltmp1, $4  }
0x66: {  	v22 =	vmul.f32 v20, v19;
	v20 =	vld [tilespmem:s22+$0x200];
	v23 =	vmul.f32 v21, v18  }
0x67: {  	v21 =	vld [tilespmem:s22+$0x280]  }
0x68: {  	v22 =	vadd.f32 v23, v22  }
0x69: {  	s24 =	sadd.s32 $0x80, s24  }
0x6a: {  	_ =	sdelay $0x1  }
0x6b: {  	v19 =	vmul.f32 v20, v19;
	v18 =	vmul.f32 v21, v18;
	_ =	sdelay $0x1  }
0x6c: {  	v18 =	vadd.f32 v18, v19  }
0x6d: {  	[tilespmem:s21+$0x8180] =	vst v22  }
0x6e: {  	s25 =	simm.s32 $0x0;
	[tilespmem:s22+$0x8180] =	vst v18  }
0x6f: {  	s26 =	sand.u32 $0x70, s25;
	s21 =	sand.u32 $0x3C00, s25;
	v18 =	vld.idx.msk [tilespmem:v6+s17+$0x0], $0xffff  }
0x70: {  	s21 =	sor.u32 s26, s21;
	v19 =	vld.idx.msk [tilespmem:v7+s17+$0x0], $0xffff  }
0x71: {  	v20 =	vld [tilespmem:s21+$0x300]  }
0x72: {  	v21 =	vld [tilespmem:s21+$0x380];
	_ =	sdelay $0x1  }
0x73: {  	s28 =	simm.s32 $0x10;
	s23 =	simm.s32 $0x80  }
0x74: {  	s23 =	sand.u32 $0x3C00, s23;
	s22 =	sand.u32 $0x70, s28  }
0x75: {  	s22 =	sor.u32 s22, s23  }
0x76: {  	v22 =	vmul.f32 v20, v19;
	v23 =	vmul.f32 v21, v18;
	v20 =	vld [tilespmem:s22+$0x300]  }
0x77: {  	v21 =	vld [tilespmem:s22+$0x380]  }
0x78: {  	s24 =	simm.s32 $0x100;
	s23 =	simm.s32 $0x20;
	v22 =	vadd.f32 v23, v22  }
.LBB2_7:
0x79: {  	s25 =	sand.u32 $0x70, s23  }
0x7a: {  	s26 =	sand.u32 $0x3C00, s24;
	[tilespmem:s21+$0x8200] =	vst v22;
	s21 =	smov.u32 s22;
	p0 =	sne.s32 s23, $0x7F0  }
.Ltmp2:
0x7b: {  	s23 =	sadd.s32 $0x10, s23;
	s22 =	sor.u32 s25, s26;
	(pc) =	sbr.rel @p0 .LBB2_7-.Ltmp2, $4  }
0x7c: {  	v22 =	vmul.f32 v20, v19;
	v20 =	vld [tilespmem:s22+$0x300];
	v23 =	vmul.f32 v21, v18  }
0x7d: {  	v21 =	vld [tilespmem:s22+$0x380]  }
0x7e: {  	v22 =	vadd.f32 v23, v22  }
0x7f: {  	s24 =	sadd.s32 $0x80, s24  }
0x80: {  	_ =	sdelay $0x1  }
0x81: {  	v19 =	vmul.f32 v20, v19;
	v18 =	vmul.f32 v21, v18;
	_ =	sdelay $0x1  }
0x82: {  	v18 =	vadd.f32 v18, v19  }
0x83: {  	[tilespmem:s21+$0x8200] =	vst v22;
	s26 =	simm.s32 $0x0  }
0x84: {  	s28 =	sand.u32 $0x7, s26;
	[tilespmem:s22+$0x8200] =	vst v18  }
0x85: {  	s23 =	sand.u32 $0x70, s26;
	s21 =	sand.u32 $0x3C00, s26;
	s22 =	sshll.u32 s28, $0x4;
	v18 =	vld.idx.msk [tilespmem:v8+s17+$0x0], $0xffff  }
0x86: {  	s21 =	sor.u32 s23, s21;
	v19 =	vld.idx.msk [tilespmem:v9+s17+$0x0], $0xffff;
	s22 =	sadd.s32 $0x0, s22  }
0x87: {  	v20 =	vld [tilespmem:s21+$0x400];
	s22 =	sor.u32 $0x380, s22  }
0x88: {  	v21 =	vld [tilespmem:s22+$0x100];
	_ =	sdelay $0x3  }
0x89: {  	s24 =	simm.s32 $0x10  }
0x8a: {  	s25 =	sand.u32 $0x70, s24;
	s23 =	simm.s32 $0x1;
	v20 =	vmul.f32 v20, v19;
	v21 =	vmul.f32 v21, v18  }
0x8b: {  	s24 =	simm.s32 $0x20;
	s26 =	sand.u32 $0x7, s23;
	s22 =	simm.s32 $0x80  }
.LBB2_9:
0x8c: {  	p0 =	sne.s32 s24, $0x7F0;
	s26 =	sshll.u32 s26, $0x4;
	s28 =	sand.u32 $0x3C00, s22;
	v20 =	vadd.f32 v21, v20  }
0x8d: {  	s26 =	sadd.s32 s26, s22;
	s25 =	sor.u32 s25, s28  }
0x8e: {  	v21 =	vld [tilespmem:s25+$0x400];
	s26 =	sor.u32 $0x380, s26;
	[tilespmem:s21+$0x8280] =	vst v20;
	s21 =	smov.u32 s25  }
0x8f: {  	v22 =	vld [tilespmem:s26+$0x100];
	_ =	sdelay $0x1  }
.Ltmp3:
0x90: {  	(pc) =	sbr.rel @p0 .LBB2_9-.Ltmp3, $3  }
0x91: {  	_ =	sdelay $0x1  }
0x92: {  	s23 =	sadd.s32 $0x1, s23;
	s22 =	sadd.s32 $0x80, s22;
	v20 =	vmul.f32 v21, v19;
	v21 =	vmul.f32 v22, v18  }
0x93: {  	s25 =	sand.u32 $0x70, s24;
	s24 =	sadd.s32 $0x10, s24;
	s26 =	sand.u32 $0x7, s23  }
0x94: {  	s23 =	sand.u32 $0x3C00, s22;
	s24 =	sshll.u32 s26, $0x4;
	v20 =	vadd.f32 v21, v20  }
0x95: {  	s23 =	sor.u32 s25, s23;
	s28 =	sadd.s32 s24, s22  }
0x96: {  	v21 =	vld [tilespmem:s23+$0x400];
	s22 =	sor.u32 $0x380, s28;
	[tilespmem:s21+$0x8280] =	vst v20  }
0x97: {  	v20 =	vld [tilespmem:s22+$0x100];
	_ =	sdelay $0x4  }
0x98: {  	v19 =	vmul.f32 v21, v19;
	v18 =	vmul.f32 v20, v18;
	_ =	sdelay $0x1  }
0x99: {  	v18 =	vadd.f32 v18, v19;
	_ =	sdelay $0x1  }
0x9a: {  	s24 =	simm.s32 $0x0;
	[tilespmem:s23+$0x8280] =	vst v18  }
0x9b: {  	s25 =	sand.u32 $0x70, s24;
	s21 =	sand.u32 $0x3C00, s24;
	v18 =	vld.idx.msk [tilespmem:v10+s17+$0x0], $0xffff  }
0x9c: {  	s21 =	sor.u32 s25, s21;
	v19 =	vld.idx.msk [tilespmem:v11+s17+$0x0], $0xffff  }
0x9d: {  	v20 =	vld [tilespmem:s21+$0x4100]  }
0x9e: {  	v21 =	vld [tilespmem:s21+$0x4180];
	_ =	sdelay $0x1  }
0x9f: {  	s26 =	simm.s32 $0x10;
	s28 =	simm.s32 $0x80  }
0xa0: {  	s22 =	sand.u32 $0x70, s26;
	s23 =	sand.u32 $0x3C00, s28  }
0xa1: {  	s22 =	sor.u32 s22, s23  }
0xa2: {  	v22 =	vmul.f32 v20, v19;
	v23 =	vmul.f32 v21, v18;
	v20 =	vld [tilespmem:s22+$0x4100]  }
0xa3: {  	v21 =	vld [tilespmem:s22+$0x4180]  }
0xa4: {  	s24 =	simm.s32 $0x100;
	s23 =	simm.s32 $0x20;
	v22 =	vadd.f32 v23, v22  }
.LBB2_11:
0xa5: {  	s25 =	sand.u32 $0x70, s23  }
0xa6: {  	s26 =	sand.u32 $0x3C00, s24;
	[tilespmem:s21+$0x8300] =	vst v22;
	s21 =	smov.u32 s22;
	p0 =	sne.s32 s23, $0x7F0  }
.Ltmp4:
0xa7: {  	s23 =	sadd.s32 $0x10, s23;
	s22 =	sor.u32 s25, s26;
	(pc) =	sbr.rel @p0 .LBB2_11-.Ltmp4, $4  }
0xa8: {  	v22 =	vmul.f32 v20, v19;
	v20 =	vld [tilespmem:s22+$0x4100];
	v23 =	vmul.f32 v21, v18  }
0xa9: {  	v21 =	vld [tilespmem:s22+$0x4180]  }
0xaa: {  	v22 =	vadd.f32 v23, v22  }
0xab: {  	s24 =	sadd.s32 $0x80, s24  }
0xac: {  	_ =	sdelay $0x1  }
0xad: {  	v19 =	vmul.f32 v20, v19;
	v18 =	vmul.f32 v21, v18;
	_ =	sdelay $0x1  }
0xae: {  	v18 =	vadd.f32 v18, v19  }
0xaf: {  	[tilespmem:s21+$0x8300] =	vst v22  }
0xb0: {  	s25 =	simm.s32 $0x0;
	[tilespmem:s22+$0x8300] =	vst v18  }
0xb1: {  	s26 =	sand.u32 $0x70, s25;
	s21 =	sand.u32 $0x3C00, s25;
	v18 =	vld.idx.msk [tilespmem:v12+s17+$0x0], $0xffff  }
0xb2: {  	s21 =	sor.u32 s26, s21;
	v19 =	vld.idx.msk [tilespmem:v13+s17+$0x0], $0xffff  }
0xb3: {  	v20 =	vld [tilespmem:s21+$0x4200]  }
0xb4: {  	v21 =	vld [tilespmem:s21+$0x4280];
	_ =	sdelay $0x1  }
0xb5: {  	s28 =	simm.s32 $0x10;
	s23 =	simm.s32 $0x80  }
0xb6: {  	s23 =	sand.u32 $0x3C00, s23;
	s22 =	sand.u32 $0x70, s28  }
0xb7: {  	s22 =	sor.u32 s22, s23  }
0xb8: {  	v22 =	vmul.f32 v20, v19;
	v23 =	vmul.f32 v21, v18;
	v20 =	vld [tilespmem:s22+$0x4200]  }
0xb9: {  	v21 =	vld [tilespmem:s22+$0x4280]  }
0xba: {  	s24 =	simm.s32 $0x100;
	s23 =	simm.s32 $0x20;
	v22 =	vadd.f32 v23, v22  }
.LBB2_13:
0xbb: {  	s25 =	sand.u32 $0x70, s23  }
0xbc: {  	s26 =	sand.u32 $0x3C00, s24;
	[tilespmem:s21+$0x8380] =	vst v22;
	s21 =	smov.u32 s22;
	p0 =	sne.s32 s23, $0x7F0  }
.Ltmp5:
0xbd: {  	s23 =	sadd.s32 $0x10, s23;
	s22 =	sor.u32 s25, s26;
	(pc) =	sbr.rel @p0 .LBB2_13-.Ltmp5, $4  }
0xbe: {  	v22 =	vmul.f32 v20, v19;
	v20 =	vld [tilespmem:s22+$0x4200];
	v23 =	vmul.f32 v21, v18  }
0xbf: {  	v21 =	vld [tilespmem:s22+$0x4280]  }
0xc0: {  	v22 =	vadd.f32 v23, v22  }
0xc1: {  	s24 =	sadd.s32 $0x80, s24  }
0xc2: {  	_ =	sdelay $0x1  }
0xc3: {  	v19 =	vmul.f32 v20, v19;
	v18 =	vmul.f32 v21, v18;
	_ =	sdelay $0x1  }
0xc4: {  	v18 =	vadd.f32 v18, v19  }
0xc5: {  	[tilespmem:s21+$0x8380] =	vst v22  }
0xc6: {  	s25 =	simm.s32 $0x0;
	[tilespmem:s22+$0x8380] =	vst v18  }
0xc7: {  	s26 =	sand.u32 $0x70, s25;
	s21 =	sand.u32 $0x3C00, s25;
	v18 =	vld.idx.msk [tilespmem:v14+s17+$0x0], $0xffff  }
0xc8: {  	s21 =	sor.u32 s26, s21;
	v19 =	vld.idx.msk [tilespmem:v15+s17+$0x0], $0xffff  }
0xc9: {  	v20 =	vld [tilespmem:s21+$0x4300]  }
0xca: {  	v21 =	vld [tilespmem:s21+$0x4380];
	_ =	sdelay $0x1  }
0xcb: {  	s28 =	simm.s32 $0x10;
	s23 =	simm.s32 $0x80  }
0xcc: {  	s23 =	sand.u32 $0x3C00, s23;
	s22 =	sand.u32 $0x70, s28  }
0xcd: {  	s22 =	sor.u32 s22, s23  }
0xce: {  	v22 =	vmul.f32 v20, v19;
	v23 =	vmul.f32 v21, v18;
	v20 =	vld [tilespmem:s22+$0x4300]  }
0xcf: {  	v21 =	vld [tilespmem:s22+$0x4380]  }
0xd0: {  	s24 =	simm.s32 $0x100;
	s23 =	simm.s32 $0x20;
	v22 =	vadd.f32 v23, v22  }
.LBB2_15:
0xd1: {  	s25 =	sand.u32 $0x70, s23  }
0xd2: {  	s26 =	sand.u32 $0x3C00, s24;
	[tilespmem:s21+$0x8400] =	vst v22;
	s21 =	smov.u32 s22;
	p0 =	sne.s32 s23, $0x7F0  }
.Ltmp6:
0xd3: {  	s23 =	sadd.s32 $0x10, s23;
	s22 =	sor.u32 s25, s26;
	(pc) =	sbr.rel @p0 .LBB2_15-.Ltmp6, $4  }
0xd4: {  	v22 =	vmul.f32 v20, v19;
	v20 =	vld [tilespmem:s22+$0x4300];
	v23 =	vmul.f32 v21, v18  }
0xd5: {  	v21 =	vld [tilespmem:s22+$0x4380]  }
0xd6: {  	v22 =	vadd.f32 v23, v22  }
0xd7: {  	s24 =	sadd.s32 $0x80, s24  }
0xd8: {  	_ =	sdelay $0x1  }
0xd9: {  	v19 =	vmul.f32 v20, v19;
	v18 =	vmul.f32 v21, v18;
	_ =	sdelay $0x1  }
0xda: {  	v18 =	vadd.f32 v18, v19  }
0xdb: {  	[tilespmem:s21+$0x8400] =	vst v22  }
0xdc: {  	s21 =	simm.s32 $0x0;
	[tilespmem:s22+$0x8400] =	vst v18  }
0xdd: {  	s25 =	sand.u32 $0x70, s21;
	s23 =	sand.u32 $0x3C00, s21;
	v18 =	vld.idx.msk [tilespmem:v16+s17+$0x0], $0xffff  }
0xde: {  	s22 =	sor.u32 s25, s23;
	v19 =	vld.idx.msk [tilespmem:v17+s17+$0x0], $0xffff  }
0xdf: {  	v20 =	vld [tilespmem:s22+$0x4400]  }
0xe0: {  	v63 =	vld [tilespmem:s22+$0x4480];
	_ =	sdelay $0x4  }
0xe1: {  	s26 =	sand.u32 $0x7, s21;
	v20 =	vmul.f32 v20, v19;
	v21 =	vmul.f32 v63, v18  }
0xe2: {  	s22 =	sshll.u32 s26, $0x4  }
0xe3: {  	s28 =	simm.s32 $0x10;
	s24 =	sadd.s32 $0x0, s22;
	s22 =	simm.s32 $0x80;
	v20 =	vadd.f32 v21, v20  }
0xe4: {  	s23 =	sand.u32 $0x70, s28;
	s25 =	sand.u32 $0x3C00, s22;
	s26 =	sor.u32 $0x380, s24  }
0xe5: {  	s24 =	sor.u32 s23, s25;
	s23 =	simm.s32 $0x20;
	[tilespmem:s26+$0x8100] =	vst v20  }
.LBB2_17:
0xe6: {  	p0 =	sne.s32 s23, $0x7F0;
	v20 =	vld [tilespmem:s24+$0x4400]  }
0xe7: {  	v21 =	vld [tilespmem:s24+$0x4480];
	_ =	sdelay $0x3  }
0xe8: {  	s21 =	sadd.s32 $0x1, s21  }
.Ltmp7:
0xe9: {  	s24 =	sand.u32 $0x7, s21;
	v20 =	vmul.f32 v20, v19;
	v21 =	vmul.f32 v21, v18;
	(pc) =	sbr.rel @p0 .LBB2_17-.Ltmp7, $4  }
0xea: {  	s24 =	sshll.u32 s24, $0x4  }
0xeb: {  	s24 =	sadd.s32 s24, s22;
	s22 =	sadd.s32 $0x80, s22;
	v20 =	vadd.f32 v21, v20  }
0xec: {  	s25 =	sand.u32 $0x70, s23;
	s26 =	sand.u32 $0x3C00, s22;
	s28 =	sor.u32 $0x380, s24  }
0xed: {  	s23 =	sadd.s32 $0x10, s23;
	s24 =	sor.u32 s25, s26;
	[tilespmem:s28+$0x8100] =	vst v20  }
0xee: {  	v20 =	vld [tilespmem:s24+$0x4400]  }
0xef: {  	v21 =	vld [tilespmem:s24+$0x4480];
	_ =	sdelay $0x3  }
0xf0: {  	s21 =	sadd.s32 $0x1, s21  }
0xf1: {  	s21 =	sand.u32 $0x7, s21;
	v19 =	vmul.f32 v20, v19;
	v18 =	vmul.f32 v21, v18  }
0xf2: {  	s21 =	sshll.u32 s21, $0x4  }
0xf3: {  	s19 =	sadd.s32 $0x1, s19;
	s21 =	sadd.s32 s21, s22;
	v18 =	vadd.f32 v18, v19  }
0xf4: {  	s20 =	sshll.u32 s20, $0x8;
	p0 =	sne.s32 s19, $0x8;
	s21 =	sor.u32 $0x380, s21  }
.Ltmp8:
0xf5: {  	s28 =	simm.s32 $0x0;
	s20 =	sadd.s32 s6, s20;
	[tilespmem:s21+$0x8100] =	vst v18;
	(pc) =	sbr.rel @p0 .LBB2_2-.Ltmp8, $4  }
0xf6: {  	[hbm4b:s20+s28] =	stream.linear.scatter [tilespmem:s18], [sflag:$0x2], $0x4000, $0x38;
	[tilespmem:$0xC100] =	vst v63  }
0xf7: {  	_ =	swait.ge [sflag:s16], $0x4000  }
0xf8: {  	[sflag:s16] =	ssyncset.done $0x0  }
0xf9: {  	[sflag:s16] =	ssyncadd.s32 $0xFFFFC000  }
0xfa: {  	s20 =	rddreg [dreg:$0x3]  }
0xfb: {  	s19 =	rddreg [dreg:$0x2];
	s20 =	sadd.s32 $0x1, s20  }
0xfc: {  	p0 =	sne.s32 s20, s19  }
.Ltmp9:
0xfd: {  	_ = 	snop;
	(pc) =	sbr.rel @p0 .LBB2_1-.Ltmp9, $1  }
0xfe: {  	_ =	sdelay $0x3  }
0xff: {  	_ =	sfence.sel $0x180000  }
0x100: {  	[bflag:$0x0] =	sbarrier.arrive $0xFFFF  }
0x101: {  	_ =	strace $0x9000004A  }
0x102: {  	s0 =	stileid.u32;
	[bflag:$0x2] =	sbarrier.arrive $0xFFFF  }
0x103: {  	p0 =	sne.s32 s0, $0x0;
	s0 =	rddreg [dreg:$0x1]  }
0x104: {  	s0 =	sadd.s32 @!p0 $0x100000, s0  }
0x105: {  	[sflag:s0] =	ssyncadd.tile.s32 @!p0 $0x1;
	_ =	shalt  }
.Lfunc_end2:
_tile_overlayer_lowered:
.L_overlay_start_2:
0x106: {  	(tag) =	ssettag $0x2  }
0x107: {  	s0 =	rddreg [dreg:$0x0];
	s2 =	stileid.u32  }
0x108: {  	s1 =	rddreg [dreg:$0x1];
	p0 =	sne.s32 s2, $0x0  }
0x109: {  	s3 =	rddreg [dreg:$0x2];
	[bflag:$0x3] =	sbarrier.arrive $0xFFFF;
	s2 =	simm.s32 @!p0 $0x1C02  }
0x10a: {  	[timem:s3], [sflag:s2] =	dma.local @!p0 [hbm:s0], s1  }
0x10b: {  	s0 =	simm.s32 @!p0 $0x2  }
0x10c: {  	_ =	swait.ge @!p0 [sflag:s0], s1  }
0x10d: {  	s1 =	ssub.s32 @!p0 $0x0, s1;
	[sflag:s0] =	ssyncset.done @!p0 $0x0  }
0x10e: {  	[sflag:s0] =	ssyncadd.s32 @!p0 s1  }
0x10f: {  	[bflag:$0x3] =	sbarrier.arrive $0xFFFF  }
0x110: {  	_ =	shalt  }

// kernel: kernel.9.cloned.1.call-start
scs
__scs_entry_jumppad:
0x0: {  	(pc) =	sbr.rel $0x88, $3  }
0x1: {  	(tag) =	ssettag $0x0;
	lr =	simm.s32 $0x1  }
0x2: {  	[smem:$0x3F9A] =	sst lr;
	_ =	strace $0xD0000000  }
0x3: {  	_ = 	snop  }
0x4: {  	_ = 	snop  }
0x5: {  	_ = 	snop  }
0x6: {  	_ = 	snop  }
0x7: {  	_ = 	snop  }
__scs_overlays_trampoline_lowered:
0x8: {  	[smem:$0x3FA9] =	sst s0  }
0x9: {  	[smem:$0x3FAA] =	sst s1  }
0xa: {  	[smem:$0x3FAB] =	sst s2  }
0xb: {  	[smem:$0x3FAC] =	sst s3  }
0xc: {  	[smem:$0x3FAD] =	sst s4  }
0xd: {  	[smem:$0x3FAE] =	sst s5  }
0xe: {  	[smem:$0x3FAF] =	sst s6  }
0xf: {  	[smem:$0x3FB0] =	sst s7  }
0x10: {  	[smem:$0x3FB1] =	sst s8  }
0x11: {  	[smem:$0x3FB2] =	sst s9;
	s0 =	simm.s32 @!p0 $0x0  }
0x12: {  	s1 =	sld [smem:$0x3F98];
	s0 =	simm.s32 @p0 $0x1  }
0x13: {  	[smem:$0x3FB3] =	sst s0;
	s0 =	simm.s32 @!p1 $0x0  }
0x14: {  	s2 =	sld [smem:$0x3F97];
	s0 =	simm.s32 @p1 $0x1  }
0x15: {  	[smem:$0x3FB4] =	sst s0;
	s0 =	simm.s32 @!p2 $0x0  }
0x16: {  	s3 =	sld [smem:$0x3FDB];
	s0 =	simm.s32 @p2 $0x1  }
0x17: {  	s4 =	simm.s32 $0x1BF5;
	[smem:$0x3FB6] =	sst s0  }
0x18: {  	s0 =	sld [smem:$0x3F99];
	_ =	swait.ge [sflag:s4], $0x0  }
0x19: {  	s7 =	sld [smem:$0x3F9A]  }
0x1a: {  	s8 =	sadd.s32 $0xFFFFE003, lr  }
0x1b: {  	s9 =	sadd.s32 $0xFFFFFEF7, lr;
	s5 =	simm.s32 $0xFFFFFFFF;
	p2 =	slt.u32 s8, $0xFFFFF086  }
0x1c: {  	p1 =	slt.u32 s9, $0xF7A;
	s5 =	simm.s32 @!p2 $0x0  }
0x1d: {  	s5 =	simm.s32 @p1 $0x1;
	p0 =	seq.s32 s7, s2  }
0x1e: {  	s7 =	smul.u32 @!p0 $0xF7A, s2;
	p2 =	seq.s32 @!p0 s5, $0x0  }
0x1f: {  	s9 =	smul.u32 $0xF7A, s1;
	s8 =	simm.s32 @!p0 $0x1BF5;
	p2 =	por !p2, p0  }
0x20: {  	[sflag:s8] =	ssyncset.s32 @!p0 $0xFFFFF086;
	s6 =	sadd.s32 @!p0 s3, s7;
	s7 =	simm.s32 @!p0 $0x108  }
0x21: {  	s3 =	sadd.s32 s3, s9;
	s6 =	sadd.s32 @!p0 $0x88, s6;
	s7 =	simm.s32 @p2 $0x1082  }
0x22: {  	[simem:s7], [sflag:s8] =	dma.local @!p0 [hbm:s6], $0xF7A  }
0x23: {  	s9 =	sor.u32 $0xD0000000, s2;
	s6 =	simm.s32 $0x108;
	_ =	swait.ge @!p0 [sflag:s8], $0x0  }
0x24: {  	s3 =	sadd.s32 $0x88, s3;
	s6 =	simm.s32 @!p1 $0x1082;
	[sflag:s4] =	ssyncset.s32 $0xFFFFF086  }
0x25: {  	[simem:s6], [sflag:s4] =	dma.local [hbm:s3], $0xF7A  }
0x26: {  	[smem:$0x3F9A] =	sst s1;
	(tag) =	ssettag s2;
	_ =	strace s9  }
0x27: {  	s1 =	sld [smem:$0x3FAA]  }
0x28: {  	s2 =	sld [smem:$0x3FAB]  }
0x29: {  	s4 =	sld [smem:$0x3FAD]  }
0x2a: {  	p0 =	seq.s32 s5, $0x0;
	s5 =	sld [smem:$0x3FAE]  }
0x2b: {  	s6 =	sld [smem:$0x3FAF]  }
0x2c: {  	s7 =	sld [smem:$0x3FB0]  }
0x2d: {  	s3 =	simm.s32 $0x108;
	s8 =	sld [smem:$0x3FB1]  }
0x2e: {  	s3 =	simm.s32 @!p0 $0x1082;
	s9 =	sld [smem:$0x3FB2]  }
0x2f: {  	lr =	sadd.s32 s0, s3;
	s0 =	sld [smem:$0x3FA9]  }
0x30: {  	s3 =	sld [smem:$0x3FAC]  }
0x31: {  	[smem:$0x3FB5] =	sst s10  }
0x32: {  	s10 =	sld [smem:$0x3FB3];
	_ =	sdelay $0x3  }
0x33: {  	p0 =	seq.s32 s10, $0x1;
	s10 =	sld [smem:$0x3FB5];
	_ =	sdelay $0x3  }
0x34: {  	[smem:$0x3FB5] =	sst s10  }
0x35: {  	s10 =	sld [smem:$0x3FB4];
	_ =	sdelay $0x3  }
0x36: {  	p1 =	seq.s32 s10, $0x1;
	s10 =	sld [smem:$0x3FB5];
	_ =	sdelay $0x3  }
0x37: {  	[smem:$0x3FB5] =	sst s10  }
0x38: {  	s10 =	sld [smem:$0x3FB6]  }
0x39: {  	_ = 	snop;
	(pc) =	sbr.ind lr, $3  }
0x3a: {  	_ = 	snop  }
0x3b: {  	_ = 	snop  }
0x3c: {  	p2 =	seq.s32 s10, $0x1;
	s10 =	sld [smem:$0x3FB5]  }
0x3d: {  	_ =	shalt  }
0x3e: {  	_ =	shalt  }
0x3f: {  	_ =	shalt  }
0x40: {  	_ =	shalt  }
0x41: {  	_ =	shalt  }
0x42: {  	_ =	shalt  }
0x43: {  	_ =	shalt  }
0x44: {  	_ =	shalt  }
0x45: {  	_ =	shalt  }
0x46: {  	_ =	shalt  }
0x47: {  	_ =	shalt  }
0x48: {  	_ =	shalt  }
0x49: {  	_ =	shalt  }
0x4a: {  	_ =	shalt  }
0x4b: {  	_ =	shalt  }
0x4c: {  	_ =	shalt  }
0x4d: {  	_ =	shalt  }
0x4e: {  	_ =	shalt  }
0x4f: {  	_ =	shalt  }
0x50: {  	_ =	shalt  }
0x51: {  	_ =	shalt  }
0x52: {  	_ =	shalt  }
0x53: {  	_ =	shalt  }
0x54: {  	_ =	shalt  }
0x55: {  	_ =	shalt  }
0x56: {  	_ =	shalt  }
0x57: {  	_ =	shalt  }
0x58: {  	_ =	shalt  }
0x59: {  	_ =	shalt  }
0x5a: {  	_ =	shalt  }
0x5b: {  	_ =	shalt  }
0x5c: {  	_ =	shalt  }
0x5d: {  	_ =	shalt  }
0x5e: {  	_ =	shalt  }
0x5f: {  	_ =	shalt  }
0x60: {  	_ =	shalt  }
0x61: {  	_ =	shalt  }
0x62: {  	_ =	shalt  }
0x63: {  	_ =	shalt  }
0x64: {  	_ =	shalt  }
0x65: {  	_ =	shalt  }
0x66: {  	_ =	shalt  }
0x67: {  	_ =	shalt  }
0x68: {  	_ =	shalt  }
0x69: {  	_ =	shalt  }
0x6a: {  	_ =	shalt  }
0x6b: {  	_ =	shalt  }
0x6c: {  	_ =	shalt  }
0x6d: {  	_ =	shalt  }
0x6e: {  	_ =	shalt  }
0x6f: {  	_ =	shalt  }
0x70: {  	_ =	shalt  }
0x71: {  	_ =	shalt  }
0x72: {  	_ =	shalt  }
0x73: {  	_ =	shalt  }
0x74: {  	_ =	shalt  }
0x75: {  	_ =	shalt  }
0x76: {  	_ =	shalt  }
0x77: {  	_ =	shalt  }
0x78: {  	_ =	shalt  }
0x79: {  	_ =	shalt  }
0x7a: {  	_ =	shalt  }
0x7b: {  	_ =	shalt  }
0x7c: {  	_ =	shalt  }
0x7d: {  	_ =	shalt  }
0x7e: {  	_ =	shalt  }
0x7f: {  	_ =	shalt  }
0x80: {  	_ =	shalt  }
0x81: {  	_ =	shalt  }
0x82: {  	_ =	shalt  }
0x83: {  	_ =	shalt  }
0x84: {  	_ =	shalt  }
0x85: {  	_ =	shalt  }
0x86: {  	_ =	shalt  }
0x87: {  	_ =	shalt  }
.Lfunc_end0:
.L_simem_size_0:
called_computation_lowered:
.L_overlay_start_0:
0x88: {  	s2 =	sld [smem:$0x3FD9]  }
0x89: {  	s3 =	sld [smem:$0x3FFE];
	_ =	sdelay $0x1  }
0x8a: {  	s1 =	srdreg.scid  }
0x8b: {  	s0 =	sand.u32 $0x1, s1  }
0x8c: {  	s17 =	sshll.u32 s0, $0xA;
	s2 =	sadd.s32 s3, s2  }
0x8d: {  	s2 =	sadd.s32 s2, s17  }
0x8e: {  	[smem:$0x3FC1] =	sst s2  }
0x8f: {  	_ = 	snop  }
0x90: {  	s2 =	sld [smem:$0x3FC9];
	(tm) =	ssettm $0x1  }
0x91: {  	s18 =	sld [smem:$0x3FFB];
	_ =	sdelay $0x3  }
0x92: {  	_ =	strace s18  }
0x93: {  	s3 =	sld [smem:$0x3FFC];
	_ =	sdelay $0x3  }
0x94: {  	_ =	strace s3  }
0x95: {  	s3 =	sld [smem:$0x3FFD];
	_ =	sdelay $0x3  }
0x96: {  	_ =	strace s3  }
0x97: {  	_ =	strace $0x8FFFFFFF  }
0x98: {  	s19 =	sld [smem:$0x3FDB];
	_ =	sdelay $0x1  }
0x99: {  	s4 =	simm.s32 $_scs_section_size  }
0x9a: {  	s5 =	simm.s32 $_size__tile_overlayer_lowered;
	s6 =	simm.s32 $_tile_overlayer_lowered  }
0x9b: {  	s22 =	simm.s32 $0x1BFF;
	s21 =	sshll.u32 s6, $0x1;
	s3 =	sadd.s32 s4, s19  }
0x9c: {  	s7 =	simm.s32 $0x0;
	s20 =	sshll.u32 s5, $0x1;
	s5 =	sadd.s32 s21, s3  }
0x9d: {  	[timem:s7], [sflag:s22] =	dma.local [hbm:s5], s20  }
0x9e: {  	_ =	swait.ge [sflag:s22], s20  }
0x9f: {  	s4 =	ssub.s32 $0x0, s20;
	[sflag:s22] =	ssyncset.done $0x0  }
0xa0: {  	[sflag:s22] =	ssyncadd.s32 s4;
	_ =	sdelay $0x1  }
0xa1: {  	s23 =	simm.s32 $0x1B8B  }
0xa2: {  	_ =	swait.ge [sflag:s23], $0x1  }
0xa3: {  	[sflag:s23] =	ssyncset.done $0x0  }
0xa4: {  	s25 =	simm.s32 $0x1B8E;
	s24 =	sld [smem:$0x3FFE];
	[sflag:s23] =	ssyncadd.s32 $0xFFFFFFFF  }
0xa5: {  	s26 =	simm.s32 $execute0_lowered;
	[smem:$0x3FD2] =	sst s25  }
0xa6: {  	s5 =	sshll.u32 s26, $0x1;
	_ =	strace $0x80000046;
	[dreg:$0x1] =	wrdreg $0xFFFFFFFF  }
0xa7: {  	s28 =	simm.s32 $_size_execute0_lowered;
	s3 =	sadd.s32 s3, s5;
	[dreg:$0x0] =	wrdreg $0x0  }
0xa8: {  	s5 =	sshll.u32 s28, $0x1;
	[dreg:$0x2] =	wrdreg s3  }
0xa9: {  	[dreg:$0x3] =	wrdreg s5  }
0xaa: {  	[dreg:$0x4] =	wrdreg $0xC0  }
0xab: {  	_ =	task [dreg:s7], $0x5FFFF  }
0xac: {  	[dreg:$0x1] =	wrdreg $0xFFFFFFFF  }
0xad: {  	[dreg:$0x0] =	wrdreg $0x60  }
0xae: {  	[dreg:$0x2] =	wrdreg s2  }
0xaf: {  	[dreg:$0x3] =	wrdreg s24  }
0xb0: {  	[dreg:$0x4] =	wrdreg $0x9  }
0xb1: {  	_ =	task.clear_ibuf [dreg:s7], $0x5FFFF;
	_ =	strace $0x90000046  }
0xb2: {  	s29 =	simm.s32 $0x9;
	_ =	strace $0x80000048  }
0xb3: {  	_ =	swait.ge [sflag:s29], $0x1  }
0xb4: {  	[sflag:s29] =	ssyncadd.s32 $0xFFFFFFFF  }
0xb5: {  	_ =	strace $0x90000048  }
0xb6: {  	_ =	sfence  }
0xb7: {  	s30 =	sld [smem:$0x0];
	_ =	sdelay $0x2  }
0xb8: {  	s31 =	sshll.u32 s1, $0xD;
	s1 =	sshrl.u32 s1, $0x2  }
0xb9: {  	s3 =	sand.u32 $0x4000, s31;
	s1 =	sadd.s32 s1, s30  }
0xba: {  	s0 =	sor.u32 s3, s0;
	s1 =	sshll.u32 s1, $0x11  }
0xbb: {  	s0 =	sor.u32 s1, s0  }
0xbc: {  	s0 =	sadd.s32 $0x8F2B, s0  }
0xbd: {  	[sflag:s0] =	ssyncadd.remote.s32 $0x1  }
0xbe: {  	_ =	sfence.sel $0xFFFF  }
0xbf: {  	[dreg:$0x0] =	wrdreg $0xFFFFFFFF;
	(pc) =	sbr.abs _section_cstart, $3  }
0xc0: {  	[dreg:$0x1] =	wrdreg $0xFFFFFFFF  }
0xc1: {  	_ =	task.clear_ibuf [dreg:s7], $0x2FFFF;
	_ =	strace $0x9FFFFFFF  }
0xc2: {  	(tm) =	ssettm $0x7FFFFFFF  }
0xc3: {  	_ =	shalt  }
tec
execute0_lowered:
.L_overlay_start_1:
0x0: {  	(tag) =	ssettag $0x1  }
0x1: {  	s28 =	rddreg [dreg:$0x0]  }
0x2: {  	s0 =	rddreg [dreg:$0x1];
	s1 =	srdreg.scid  }
0x3: {  	s2 =	stileid.u32;
	s3 =	simm.s32 $0x0;
	s31 =	simm.s32 $0x80  }
0x4: {  	s21 =	simm.s32 $0x2;
	s23 =	simm.s32 $0x7900;
	s24 =	simm.s32 $0x1  }
0x5: {  	s1 =	sand.u32 $0x1, s1;
	s2 =	sshll.u32 s2, $0x7;
	[smem:$0x7FF] =	sst s3  }
0x6: {  	s5 =	sadd.s32 $0x1A00, s0;
	s6 =	sadd.s32 $0x100, s28;
	s7 =	sadd.s32 $0x200, s28  }
0x7: {  	s8 =	sadd.s32 $0x300, s28;
	s9 =	sadd.s32 $0x400, s28;
	s10 =	sadd.s32 $0x500, s28  }
0x8: {  	s11 =	sadd.s32 $0x600, s28;
	s12 =	sadd.s32 $0x700, s28;
	s13 =	sadd.s32 $0x1B00, s0  }
0x9: {  	s14 =	sadd.s32 $0x1C00, s0;
	s15 =	sadd.s32 $0x1D00, s0;
	s16 =	sadd.s32 $0x1E00, s0  }
0xa: {  	s17 =	sadd.s32 $0x1F00, s0;
	s4 =	sshll.u32 s1, $0x6;
	s1 =	ssub.s32 $0x2, s1  }
0xb: {  	_ =	strace $0x80000047;
	s2 =	sor.u32 s4, s2;
	s30 =	sshrl.u32 s1, $0x1  }
0xc: {  	[dreg:$0x5] =	wrdreg s2;
	s2 =	sshrl.u32 s2, $0x2;
	s1 =	ssub.s32 s1, s30  }
0xd: {  	v3 =	vlaneseq.u32;
	[dreg:$0x4] =	wrdreg s31;
	s2 =	sadd.s32 s2, s0;
	s1 =	smax.u32 s1, $0x1  }
0xe: {  	vm0 =	vmmov $0xffff;
	s18 =	sadd.s32 $0x2000, s0;
	v0 =	vshrl.u32 v3, $0x1;
	v2 =	vshrl.u32 v3, $0x3;
	s2 =	sadd.s32 $0x1800, s2;
	[dreg:$0x6] =	wrdreg s1  }
0xf: {  	s19 =	sadd.s32 $0x2100, s0;
	v1 =	vand.u32 $0x7, v3;
	v3 =	vor.u32 $0x8, v3;
	v2 =	vmul.u32 $0x8, v2;
	s0 =	simm.s32 $0x0;
	[dreg:$0x3] =	wrdreg s2  }
.LBB2_1:
0x10: {  	[dreg:$0x7] =	wrdreg s0  }
0x11: {  	s25 =	rddreg [dreg:$0x5];
	s26 =	simm.s32 $0x0  }
.LBB2_2:
0x12: {  	s30 =	smov.u32 s28;
	s28 =	rddreg [dreg:$0x3];
	v4 =	vor.u32 s25, v0  }
0x13: {  	s29 =	rddreg [dreg:$0x4];
	[tilespmem:$0x0] =	vst v4;
	s28 =	sadd.s32 s26, s28  }
0x14: {  	[tilespmem:s29], [sflag:$0x2] =	stream.linear.gather [hbm4b:s28+s3], $0x10, $0x38;
	[tilespmem:$0x8100] =	vst v63  }
0x15: {  	_ =	swait.ge [sflag:s21], $0x10  }
0x16: {  	[sflag:s21] =	ssyncset.done $0x0  }
0x17: {  	[sflag:s21] =	ssyncadd.s32 $0xFFFFFFF0  }
0x18: {  	v4 =	vld [tilespmem:$0x0];
	_ =	sdelay $0x4  }
0x19: {  	v5 =	vshll.u32 v4, $0x4  }
0x1a: {  	v4 =	vand.u32 $0x7, v4;
	v5 =	vand.u32 $0xFFFFFF80, v5  }
0x1b: {  	v4 =	vor.u32 v4, v5  }
0x1c: {  	v5 =	vperm.xlane v4, v1;
	_ =	sdelay $0x1  }
0x1d: {  	v5 =	vadd.s32 v2, v5;
	_ =	sdelay $0x3  }
0x1e: {  	s29 =	simm.s32 $0x100;
	s28 =	smov.u32 s30  }
0x1f: {  	[tilespmem:s29], [sflag:$0x1] =	stream.indirect_vreg.gather [hbm4b:s28+s3], $0x80, v5, vm0, $0xb8;
	[tilespmem:$0x8100] =	vst v63  }
0x20: {  	s30 =	simm.s32 $0x900  }
0x21: {  	[tilespmem:s30], [sflag:$0x1] =	stream.indirect_vreg.gather [hbm4b:s6+s3], $0x80, v5, vm0, $0xb8;
	[tilespmem:$0x8100] =	vst v63  }
0x22: {  	s31 =	simm.s32 $0x1100  }
0x23: {  	[tilespmem:s31], [sflag:$0x1] =	stream.indirect_vreg.gather [hbm4b:s7+s3], $0x80, v5, vm0, $0xb8;
	[tilespmem:$0x8100] =	vst v63  }
0x24: {  	s31 =	simm.s32 $0x1900  }
0x25: {  	[tilespmem:s31], [sflag:$0x1] =	stream.indirect_vreg.gather [hbm4b:s8+s3], $0x80, v5, vm0, $0xb8;
	[tilespmem:$0x8100] =	vst v63  }
0x26: {  	s0 =	simm.s32 $0x2100  }
0x27: {  	[tilespmem:s0], [sflag:$0x1] =	stream.indirect_vreg.gather [hbm4b:s9+s3], $0x80, v5, vm0, $0xb8;
	[tilespmem:$0x8100] =	vst v63  }
0x28: {  	s1 =	simm.s32 $0x2900;
	v4 =	vperm.xlane v4, v3  }
0x29: {  	[tilespmem:s1], [sflag:$0x1] =	stream.indirect_vreg.gather [hbm4b:s10+s3], $0x80, v5, vm0, $0xb8;
	[tilespmem:$0x8100] =	vst v63  }
0x2a: {  	v4 =	vadd.s32 v2, v4;
	s1 =	simm.s32 $0x3100  }
0x2b: {  	[tilespmem:s1], [sflag:$0x1] =	stream.indirect_vreg.gather [hbm4b:s11+s3], $0x80, v5, vm0, $0xb8;
	[tilespmem:$0x8100] =	vst v63  }
0x2c: {  	s4 =	simm.s32 $0x3900  }
0x2d: {  	[tilespmem:s4], [sflag:$0x1] =	stream.indirect_vreg.gather [hbm4b:s12+s3], $0x80, v5, vm0, $0xb8;
	[tilespmem:$0x8100] =	vst v63  }
0x2e: {  	s4 =	simm.s32 $0x4100  }
0x2f: {  	[tilespmem:s4], [sflag:$0x1] =	stream.indirect_vreg.gather [hbm4b:s28+s3], $0x80, v4, vm0, $0xb8;
	[tilespmem:$0x8100] =	vst v63  }
0x30: {  	s20 =	simm.s32 $0x4900  }
0x31: {  	[tilespmem:s20], [sflag:$0x1] =	stream.indirect_vreg.gather [hbm4b:s6+s3], $0x80, v4, vm0, $0xb8;
	[tilespmem:$0x8100] =	vst v63  }
0x32: {  	s20 =	simm.s32 $0x5100  }
0x33: {  	[tilespmem:s20], [sflag:$0x1] =	stream.indirect_vreg.gather [hbm4b:s7+s3], $0x80, v4, vm0, $0xb8;
	[tilespmem:$0x8100] =	vst v63  }
0x34: {  	s2 =	simm.s32 $0x5900  }
0x35: {  	[tilespmem:s2], [sflag:$0x1] =	stream.indirect_vreg.gather [hbm4b:s8+s3], $0x80, v4, vm0, $0xb8;
	[tilespmem:$0x8100] =	vst v63  }
0x36: {  	s2 =	simm.s32 $0x6100  }
0x37: {  	[tilespmem:s2], [sflag:$0x1] =	stream.indirect_vreg.gather [hbm4b:s9+s3], $0x80, v4, vm0, $0xb8;
	[tilespmem:$0x8100] =	vst v63  }
0x38: {  	s22 =	simm.s32 $0x6900  }
0x39: {  	[tilespmem:s22], [sflag:$0x1] =	stream.indirect_vreg.gather [hbm4b:s10+s3], $0x80, v4, vm0, $0xb8;
	[tilespmem:$0x8100] =	vst v63  }
0x3a: {  	s22 =	simm.s32 $0x7100  }
0x3b: {  	[tilespmem:s22], [sflag:$0x1] =	stream.indirect_vreg.gather [hbm4b:s11+s3], $0x80, v4, vm0, $0xb8;
	[tilespmem:$0x8100] =	vst v63  }
0x3c: {  	_ = 	snop  }
0x3d: {  	[tilespmem:s23], [sflag:$0x1] =	stream.indirect_vreg.gather [hbm4b:s12+s3], $0x80, v4, vm0, $0xb8;
	[tilespmem:$0x8100] =	vst v63  }
0x3e: {  	_ =	swait.ge [sflag:s24], $0x8000  }
0x3f: {  	[sflag:s24] =	ssyncset.done $0x0  }
0x40: {  	[sflag:s24] =	ssyncadd.s32 $0xFFFF8000  }
0x41: {  	v4 =	vld [tilespmem:$0x80];
	_ =	sdelay $0x4  }
0x42: {  	v5 =	vshll.u32 v4, $0x4  }
0x43: {  	v4 =	vand.u32 $0x7, v4;
	v5 =	vand.u32 $0xFFFFFF80, v5  }
0x44: {  	v4 =	vor.u32 v4, v5  }
0x45: {  	v5 =	vperm.xlane v4, v1;
	_ =	sdelay $0x1  }
0x46: {  	v5 =	vadd.s32 v2, v5;
	_ =	sdelay $0x4  }
0x47: {  	[hbm4b:s5+s3] =	stream.indirect_vreg.scatter [tilespmem:s29], [sflag:$0x1], $0x80, v5, vm0, $0xb8;
	[tilespmem:$0x8100] =	vst v63  }
0x48: {  	_ = 	snop  }
0x49: {  	[hbm4b:s13+s3] =	stream.indirect_vreg.scatter [tilespmem:s30], [sflag:$0x1], $0x80, v5, vm0, $0xb8;
	[tilespmem:$0x8100] =	vst v63  }
0x4a: {  	s0 =	simm.s32 $0x1100  }
0x4b: {  	[hbm4b:s14+s3] =	stream.indirect_vreg.scatter [tilespmem:s0], [sflag:$0x1], $0x80, v5, vm0, $0xb8;
	[tilespmem:$0x8100] =	vst v63  }
0x4c: {  	_ = 	snop  }
0x4d: {  	[hbm4b:s15+s3] =	stream.indirect_vreg.scatter [tilespmem:s31], [sflag:$0x1], $0x80, v5, vm0, $0xb8;
	[tilespmem:$0x8100] =	vst v63  }
0x4e: {  	s29 =	simm.s32 $0x2100  }
0x4f: {  	[hbm4b:s16+s3] =	stream.indirect_vreg.scatter [tilespmem:s29], [sflag:$0x1], $0x80, v5, vm0, $0xb8;
	[tilespmem:$0x8100] =	vst v63  }
0x50: {  	v4 =	vperm.xlane v4, v3;
	s30 =	simm.s32 $0x2900  }
0x51: {  	[hbm4b:s17+s3] =	stream.indirect_vreg.scatter [tilespmem:s30], [sflag:$0x1], $0x80, v5, vm0, $0xb8;
	[tilespmem:$0x8100] =	vst v63  }
0x52: {  	v4 =	vadd.s32 v2, v4  }
0x53: {  	[hbm4b:s18+s3] =	stream.indirect_vreg.scatter [tilespmem:s1], [sflag:$0x1], $0x80, v5, vm0, $0xb8;
	[tilespmem:$0x8100] =	vst v63  }
0x54: {  	s31 =	simm.s32 $0x3900  }
0x55: {  	[hbm4b:s19+s3] =	stream.indirect_vreg.scatter [tilespmem:s31], [sflag:$0x1], $0x80, v5, vm0, $0xb8;
	[tilespmem:$0x8100] =	vst v63  }
0x56: {  	_ = 	snop  }
0x57: {  	[hbm4b:s5+s3] =	stream.indirect_vreg.scatter [tilespmem:s4], [sflag:$0x1], $0x80, v4, vm0, $0xb8;
	[tilespmem:$0x8100] =	vst v63  }
0x58: {  	s29 =	simm.s32 $0x4900  }
0x59: {  	[hbm4b:s13+s3] =	stream.indirect_vreg.scatter [tilespmem:s29], [sflag:$0x1], $0x80, v4, vm0, $0xb8;
	[tilespmem:$0x8100] =	vst v63  }
0x5a: {  	_ = 	snop  }
0x5b: {  	[hbm4b:s14+s3] =	stream.indirect_vreg.scatter [tilespmem:s20], [sflag:$0x1], $0x80, v4, vm0, $0xb8;
	[tilespmem:$0x8100] =	vst v63  }
0x5c: {  	s30 =	simm.s32 $0x5900  }
0x5d: {  	[hbm4b:s15+s3] =	stream.indirect_vreg.scatter [tilespmem:s30], [sflag:$0x1], $0x80, v4, vm0, $0xb8;
	[tilespmem:$0x8100] =	vst v63  }
0x5e: {  	_ = 	snop  }
0x5f: {  	[hbm4b:s16+s3] =	stream.indirect_vreg.scatter [tilespmem:s2], [sflag:$0x1], $0x80, v4, vm0, $0xb8;
	[tilespmem:$0x8100] =	vst v63  }
0x60: {  	s31 =	simm.s32 $0x6900  }
0x61: {  	[hbm4b:s17+s3] =	stream.indirect_vreg.scatter [tilespmem:s31], [sflag:$0x1], $0x80, v4, vm0, $0xb8;
	[tilespmem:$0x8100] =	vst v63  }
0x62: {  	p0 =	sne.s32 s26, $0xE  }
0x63: {  	[hbm4b:s18+s3] =	stream.indirect_vreg.scatter [tilespmem:s22], [sflag:$0x1], $0x80, v4, vm0, $0xb8;
	[tilespmem:$0x8100] =	vst v63  }
.Ltmp0:
0x64: {  	_ = 	snop;
	(pc) =	sbr.rel @p0 .LBB2_2-.Ltmp0, $4  }
0x65: {  	[hbm4b:s19+s3] =	stream.indirect_vreg.scatter [tilespmem:s23], [sflag:$0x1], $0x80, v4, vm0, $0xb8;
	[tilespmem:$0x8100] =	vst v63  }
0x66: {  	_ =	swait.ge [sflag:s24], $0x8000  }
0x67: {  	[sflag:s24] =	ssyncset.done $0x0  }
0x68: {  	s25 =	sadd.s32 $0x8, s25;
	s26 =	sadd.s32 $0x2, s26;
	[sflag:s24] =	ssyncadd.s32 $0xFFFF8000  }
0x69: {  	s0 =	rddreg [dreg:$0x7]  }
0x6a: {  	s25 =	rddreg [dreg:$0x6];
	s0 =	sadd.s32 $0x1, s0  }
0x6b: {  	p0 =	sne.s32 s0, s25  }
.Ltmp1:
0x6c: {  	_ = 	snop;
	(pc) =	sbr.rel @p0 .LBB2_1-.Ltmp1, $1  }
0x6d: {  	_ =	sdelay $0x3  }
0x6e: {  	_ =	sfence.sel $0x180000  }
0x6f: {  	[bflag:$0x0] =	sbarrier.arrive $0xFFFF  }
0x70: {  	_ =	strace $0x90000047  }
0x71: {  	s0 =	stileid.u32;
	[bflag:$0x2] =	sbarrier.arrive $0xFFFF  }
0x72: {  	p0 =	sne.s32 s0, $0x0;
	s0 =	rddreg [dreg:$0x2]  }
0x73: {  	s0 =	sadd.s32 @!p0 $0x100000, s0  }
0x74: {  	[sflag:s0] =	ssyncadd.tile.s32 @!p0 $0x1;
	_ =	shalt  }
.Lfunc_end2:
_tile_overlayer_lowered:
.L_overlay_start_2:
0x75: {  	(tag) =	ssettag $0x2  }
0x76: {  	s0 =	rddreg [dreg:$0x0];
	s2 =	stileid.u32  }
0x77: {  	s1 =	rddreg [dreg:$0x1];
	p0 =	sne.s32 s2, $0x0  }
0x78: {  	s3 =	rddreg [dreg:$0x2];
	[bflag:$0x3] =	sbarrier.arrive $0xFFFF;
	s2 =	simm.s32 @!p0 $0x1C02  }
0x79: {  	[timem:s3], [sflag:s2] =	dma.local @!p0 [hbm:s0], s1  }
0x7a: {  	s0 =	simm.s32 @!p0 $0x2  }
0x7b: {  	_ =	swait.ge @!p0 [sflag:s0], s1  }
0x7c: {  	s1 =	ssub.s32 @!p0 $0x0, s1;
	[sflag:s0] =	ssyncset.done @!p0 $0x0  }
0x7d: {  	[sflag:s0] =	ssyncadd.s32 @!p0 s1  }
0x7e: {  	[bflag:$0x3] =	sbarrier.arrive $0xFFFF  }
0x7f: {  	_ =	shalt  }

</sc_bundles>
